<compile_context>
chip_gen: v7x
topology: tpu7x:2x2x1
jax: 0.10.2.dev20260603
libtpu: 0.0.44.dev20260713+nightly
codegen_flags: <defaults>
</compile_context>

<pallas_src>
import functools

import jax
import jax.numpy as jnp
from jax import lax
from jax.experimental import pallas as pl
from jax.experimental.pallas import tpu as pltpu
from jax.experimental.pallas import tpu_sc as plsc

VOCAB = 100000
EMBED_DIM = 64
BATCH = 4096
HIST = 50
NUM_CLASSES = 2

NC = 2
NS = 16
LANES = 16
ROWS_PER_TILE = BATCH // NS
CHUNKS = ROWS_PER_TILE // LANES

VB = 25600
GRID = 4
PADDED = VB * GRID
SLICE = PADDED // NS


def _project_body(b_ref, tabT_ref, w_ref, out_ref):
    rows = lax.broadcasted_iota(jnp.int32, (NUM_CLASSES, 1), 0)
    b_col = jnp.where(rows == 0, b_ref[0], b_ref[1])
    out_ref[...] = (lax.dot_general(
        w_ref[...], tabT_ref[...],
        dimension_numbers=(((1,), (0,)), ((), ())),
        preferred_element_type=jnp.float32,
    ) + b_col) * (1.0 / HIST)


def _project(tabT, fc_w, fc_b):
    return pl.pallas_call(
        _project_body,
        grid=(GRID,),
        in_specs=[
            pl.BlockSpec(memory_space=pltpu.SMEM),
            pl.BlockSpec((EMBED_DIM, VB), lambda i: (0, i)),
            pl.BlockSpec((NUM_CLASSES, EMBED_DIM), lambda i: (0, 0)),
        ],
        out_specs=pl.BlockSpec((NUM_CLASSES, VB), lambda i: (0, i)),
        out_shape=jax.ShapeDtypeStruct((NUM_CLASSES, PADDED), jnp.float32),
    )(fc_b, tabT, fc_w)


def _sc_body(projT, xt, outT, col_sh, col_v, idx_v, out_v, idx_sem):
    c = lax.axis_index("c")
    s = lax.axis_index("s")
    idx_cp = pltpu.async_copy(
        xt.at[:, pl.ds(s * ROWS_PER_TILE, ROWS_PER_TILE)], idx_v, idx_sem)
    pltpu.sync_copy(projT.at[c, pl.ds(s * SLICE, SLICE)],
                    col_sh.at[pl.ds(s * SLICE, SLICE)])
    plsc.subcore_barrier()
    pltpu.sync_copy(col_sh, col_v)
    idx_cp.wait()

    @plsc.parallel_loop(0, CHUNKS)
    def chunk_body(g):
        acc0 = jnp.zeros((LANES,), jnp.float32)
        acc1 = jnp.zeros((LANES,), jnp.float32)
        for l in range(0, HIST, 2):
            idx0 = idx_v[l, pl.ds(g * LANES, LANES)]
            idx1 = idx_v[l + 1, pl.ds(g * LANES, LANES)]
            acc0 = acc0 + plsc.load_gather(col_v, [idx0])
            acc1 = acc1 + plsc.load_gather(col_v, [idx1])
        out_v[pl.ds(g * LANES, LANES)] = acc0 + acc1
    pltpu.sync_copy(out_v, outT.at[c, pl.ds(s * ROWS_PER_TILE, ROWS_PER_TILE)])


@functools.cache
def _sc_gather():
    return pl.kernel(
        _sc_body,
        out_type=jax.ShapeDtypeStruct((NUM_CLASSES, BATCH), jnp.float32),
        mesh=plsc.VectorSubcoreMesh(core_axis_name="c", subcore_axis_name="s"),
        scratch_types=[
            pltpu.VMEM_SHARED((PADDED,), jnp.float32),
            pltpu.VMEM((PADDED,), jnp.float32),
            pltpu.VMEM((HIST, ROWS_PER_TILE), jnp.int32),
            pltpu.VMEM((ROWS_PER_TILE,), jnp.float32),
            pltpu.SemaphoreType.DMA,
        ],
        compiler_params=pltpu.CompilerParams(needs_layout_passes=False),
    )


def kernel(x, embed_table, fc_w, fc_b):
    projT = _project(embed_table.T, fc_w, fc_b)
    outT = _sc_gather()(projT, x.T)
    return outT.T

# --- scband reference (transcript-rebuilt; emitter-appended) ---
"""Pipeline reference for scband-simple-classifier-86139864089046 (READ-ONLY COPY).

The authoritative reference and input builder live on the scoring server;
editing this copy changes nothing except your own understanding.
"""

import jax, jax.numpy as jnp
import numpy as np

VOCAB = 100000
EMBED_DIM = 64
BATCH = 4096
HIST = 50
NUM_CLASSES = 2

def setup_inputs(seed: int = 0) -> dict:
    key = jax.random.key(seed)
    k1, k2, k3, k4 = jax.random.split(key, 4)
    x = jax.random.randint(k1, (BATCH, HIST), 0, VOCAB, dtype=jnp.int64 if jax.config.jax_enable_x64 else jnp.int32).astype(jnp.int32)
    embed_table = jax.random.normal(k2, (VOCAB, EMBED_DIM), dtype=jnp.float32)
    bound = 1.0 / np.sqrt(EMBED_DIM)
    fc_w = jax.random.uniform(k3, (NUM_CLASSES, EMBED_DIM), minval=-bound, maxval=bound, dtype=jnp.float32)
    fc_b = jax.random.uniform(k4, (NUM_CLASSES,), minval=-bound, maxval=bound, dtype=jnp.float32)
    return {"x": x, "embed_table": embed_table, "fc_w": fc_w, "fc_b": fc_b}

def reference(x, embed_table, fc_w, fc_b):
    # nn.Embedding: gather rows of the table
    emb = jnp.take(embed_table, x, axis=0)          # [B, L, D]
    pooled = emb.mean(axis=1)                        # [B, D]
    # nn.Linear: y = pooled @ W^T + b
    out = pooled @ fc_w.T + fc_b                     # [B, 2]
    return out

if __name__ == "__main__":
    import jax
    _d = setup_inputs()
    print(jax.jit(kernel)(*tuple(_d.values())))

</pallas_src>

<mosaic_0001>
#map = affine_map<(d0, d1) -> (0, 0)>
module attributes {stable_mosaic.version = 14 : i64} {
  func.func @_sc_body(%arg0: i32, %arg1: i32, %arg2: memref<2x102400xf32, #tpu.memory_space<hbm>>, %arg3: memref<50x4096xi32, #tpu.memory_space<hbm>>, %arg4: memref<2x4096xf32, #tpu.memory_space<hbm>>, %arg5: memref<102400xf32, #tpu.memory_space<vmem_shared>>, %arg6: memref<102400xf32, #tpu.memory_space<vmem>>, %arg7: memref<50x256xi32, #tpu.memory_space<vmem>>, %arg8: memref<256xf32, #tpu.memory_space<vmem>>, %arg9: memref<!tpu.dma_semaphore, #tpu.memory_space<semaphore_mem>>) attributes {dimension_semantics = [#tpu.dimension_semantics<core_parallel>, #tpu.dimension_semantics<subcore_parallel>], iteration_bounds = array<i64: 2, 16>, scalar_prefetch = 0 : i64, scratch_operands = 5 : i64, tpu.core_type = #tpu.core_type<sc_vector_subcore>, window_params = [{transform_indices = #map}, {transform_indices = #map}, {transform_indices = #map}]} {
    %mul3A = arith.constant 256 : i32
    %mul3A_0 = arith.muli %arg1, %mul3A : i32
    %dma_start3A = arith.constant 0 : i32
    %dma_start3A_1 = tpu.memref_slice %arg3[%dma_start3A, %mul3A_0] : memref<50x4096xi32, #tpu.memory_space<hbm>> -> memref<50x256xi32, #tpu.memory_space<hbm>>
    %dma_start3A_2 = arith.constant 0 : i32
    %dma_start3A_3 = tpu.memref_slice %arg3[%dma_start3A_2, %mul3A_0] : memref<50x4096xi32, #tpu.memory_space<hbm>> -> memref<50x256xi32, #tpu.memory_space<hbm>>
    tpu.enqueue_dma source(%dma_start3A_3 : memref<50x256xi32, #tpu.memory_space<hbm>>) target(%arg7 : memref<50x256xi32, #tpu.memory_space<vmem>>) target_semaphore(%arg9 : memref<!tpu.dma_semaphore, #tpu.memory_space<semaphore_mem>>)
    %mul3A_4 = arith.constant 6400 : i32
    %mul3A_5 = arith.muli %arg1, %mul3A_4 : i32
    %mul3A_6 = arith.constant 6400 : i32
    %mul3A_7 = arith.muli %arg1, %mul3A_6 : i32
    "tpu.region"() ({
      %run_scoped3A = tpu.sem_alloc : memref<!tpu.dma_semaphore, #tpu.memory_space<semaphore_mem>>
      %dma_start3A_15 = tpu.memref_slice %arg5[%mul3A_7] : memref<102400xf32, #tpu.memory_space<vmem_shared>> -> memref<6400xf32, #tpu.memory_space<vmem_shared>>
      %dma_start3A_16 = tpu.memref_slice %arg2[%arg0, %mul3A_5] : memref<2x102400xf32, #tpu.memory_space<hbm>> -> memref<1x6400xf32, #tpu.memory_space<hbm>>
      %dma_start3A_17 = tpu.memref_squeeze %dma_start3A_16 : memref<1x6400xf32, #tpu.memory_space<hbm>> -> memref<6400xf32, #tpu.memory_space<hbm>>
      tpu.enqueue_dma source(%dma_start3A_17 : memref<6400xf32, #tpu.memory_space<hbm>>) target(%dma_start3A_15 : memref<6400xf32, #tpu.memory_space<vmem_shared>>) target_semaphore(%run_scoped3A : memref<!tpu.dma_semaphore, #tpu.memory_space<semaphore_mem>>)
      %dma_wait3A_18 = tpu.memref_slice %arg5[%mul3A_7] : memref<102400xf32, #tpu.memory_space<vmem_shared>> -> memref<6400xf32, #tpu.memory_space<vmem_shared>>
      %dma_wait3A_19 = tpu.memref_slice %arg2[%arg0, %mul3A_5] : memref<2x102400xf32, #tpu.memory_space<hbm>> -> memref<1x6400xf32, #tpu.memory_space<hbm>>
      %dma_wait3A_20 = tpu.memref_squeeze %dma_wait3A_19 : memref<1x6400xf32, #tpu.memory_space<hbm>> -> memref<6400xf32, #tpu.memory_space<hbm>>
      tpu.wait_dma2 semaphore(%run_scoped3A : memref<!tpu.dma_semaphore, #tpu.memory_space<semaphore_mem>>) src(%dma_wait3A_20 : memref<6400xf32, #tpu.memory_space<hbm>>) dst(%dma_wait3A_18 : memref<6400xf32, #tpu.memory_space<vmem_shared>>)
      tpu.yield
    }) : () -> ()
    %barrier3A = arith.constant 0 : index
    tpu.barrier barrier_id(%barrier3A)
    "tpu.region"() ({
      %run_scoped3A = tpu.sem_alloc : memref<!tpu.dma_semaphore, #tpu.memory_space<semaphore_mem>>
      tpu.enqueue_dma source(%arg5 : memref<102400xf32, #tpu.memory_space<vmem_shared>>) target(%arg6 : memref<102400xf32, #tpu.memory_space<vmem>>) target_semaphore(%run_scoped3A : memref<!tpu.dma_semaphore, #tpu.memory_space<semaphore_mem>>)
      tpu.wait_dma2 semaphore(%run_scoped3A : memref<!tpu.dma_semaphore, #tpu.memory_space<semaphore_mem>>) src(%arg5 : memref<102400xf32, #tpu.memory_space<vmem_shared>>) dst(%arg6 : memref<102400xf32, #tpu.memory_space<vmem>>)
      tpu.yield
    }) : () -> ()
    %dma_wait3A = arith.constant 0 : i32
    %dma_wait3A_8 = tpu.memref_slice %arg3[%dma_wait3A, %mul3A_0] : memref<50x4096xi32, #tpu.memory_space<hbm>> -> memref<50x256xi32, #tpu.memory_space<hbm>>
    %dma_wait3A_9 = arith.constant 0 : i32
    %dma_wait3A_10 = tpu.memref_slice %arg3[%dma_wait3A_9, %mul3A_0] : memref<50x4096xi32, #tpu.memory_space<hbm>> -> memref<50x256xi32, #tpu.memory_space<hbm>>
    tpu.wait_dma2 semaphore(%arg9 : memref<!tpu.dma_semaphore, #tpu.memory_space<semaphore_mem>>) src(%dma_wait3A_10 : memref<50x256xi32, #tpu.memory_space<hbm>>) dst(%arg7 : memref<50x256xi32, #tpu.memory_space<vmem>>)
    %parallel_loop3A = arith.constant 0 : i32
    %parallel_loop3A_11 = arith.constant 16 : i32
    %parallel_loop3A_12 = arith.constant 1 : i32
    scf.for %parallel_loop3A_15 = %parallel_loop3A to %parallel_loop3A_11 step %parallel_loop3A_12  : i32 {
      %parallel_loop3A_16 = arith.constant 0.000000e+00 : f32
      %parallel_loop3A_17 = vector.broadcast %parallel_loop3A_16 : f32 to vector<16xf32>
      %parallel_loop3A_18 = arith.constant 0.000000e+00 : f32
      %parallel_loop3A_19 = vector.broadcast %parallel_loop3A_18 : f32 to vector<16xf32>
      %parallel_loop3A_20 = arith.constant 16 : i32
      %parallel_loop3A_21 = arith.muli %parallel_loop3A_15, %parallel_loop3A_20 : i32
      %parallel_loop3A_22 = arith.constant 0 : i32
      %parallel_loop3A_23 = arith.index_cast %parallel_loop3A_22 : i32 to index
      %parallel_loop3A_24 = arith.index_cast %parallel_loop3A_21 : i32 to index
      %parallel_loop3A_25 = tpu.vector_load %arg7[%parallel_loop3A_23, %parallel_loop3A_24] {strides = array<i32>} : memref<50x256xi32, #tpu.memory_space<vmem>>, vector<16xi32>,
      %parallel_loop3A_26 = arith.constant 16 : i32
      %parallel_loop3A_27 = arith.muli %parallel_loop3A_15, %parallel_loop3A_26 : i32
      %parallel_loop3A_28 = arith.constant 1 : i32
      %parallel_loop3A_29 = arith.index_cast %parallel_loop3A_28 : i32 to index
      %parallel_loop3A_30 = arith.index_cast %parallel_loop3A_27 : i32 to index
      %parallel_loop3A_31 = tpu.vector_load %arg7[%parallel_loop3A_29, %parallel_loop3A_30] {strides = array<i32>} : memref<50x256xi32, #tpu.memory_space<vmem>>, vector<16xi32>,
      %parallel_loop3A_32 = tpu.vector_load_idx %arg6[%parallel_loop3A_25] : memref<102400xf32, #tpu.memory_space<vmem>>[vector<16xi32>], vector<16xf32>,
      %parallel_loop3A_33 = arith.addf %parallel_loop3A_17, %parallel_loop3A_32 : vector<16xf32>
      %parallel_loop3A_34 = tpu.vector_load_idx %arg6[%parallel_loop3A_31] : memref<102400xf32, #tpu.memory_space<vmem>>[vector<16xi32>], vector<16xf32>,
      %parallel_loop3A_35 = arith.addf %parallel_loop3A_19, %parallel_loop3A_34 : vector<16xf32>
      %parallel_loop3A_36 = arith.constant 16 : i32
      %parallel_loop3A_37 = arith.muli %parallel_loop3A_15, %parallel_loop3A_36 : i32
      %parallel_loop3A_38 = arith.constant 2 : i32
      %parallel_loop3A_39 = arith.index_cast %parallel_loop3A_38 : i32 to index
      %parallel_loop3A_40 = arith.index_cast %parallel_loop3A_37 : i32 to index
      %parallel_loop3A_41 = tpu.vector_load %arg7[%parallel_loop3A_39, %parallel_loop3A_40] {strides = array<i32>} : memref<50x256xi32, #tpu.memory_space<vmem>>, vector<16xi32>,
      %parallel_loop3A_42 = arith.constant 16 : i32
      %parallel_loop3A_43 = arith.muli %parallel_loop3A_15, %parallel_loop3A_42 : i32
      %parallel_loop3A_44 = arith.constant 3 : i32
      %parallel_loop3A_45 = arith.index_cast %parallel_loop3A_44 : i32 to index
      %parallel_loop3A_46 = arith.index_cast %parallel_loop3A_43 : i32 to index
      %parallel_loop3A_47 = tpu.vector_load %arg7[%parallel_loop3A_45, %parallel_loop3A_46] {strides = array<i32>} : memref<50x256xi32, #tpu.memory_space<vmem>>, vector<16xi32>,
      %parallel_loop3A_48 = tpu.vector_load_idx %arg6[%parallel_loop3A_41] : memref<102400xf32, #tpu.memory_space<vmem>>[vector<16xi32>], vector<16xf32>,
      %parallel_loop3A_49 = arith.addf %parallel_loop3A_33, %parallel_loop3A_48 : vector<16xf32>
      %parallel_loop3A_50 = tpu.vector_load_idx %arg6[%parallel_loop3A_47] : memref<102400xf32, #tpu.memory_space<vmem>>[vector<16xi32>], vector<16xf32>,
      %parallel_loop3A_51 = arith.addf %parallel_loop3A_35, %parallel_loop3A_50 : vector<16xf32>
      %parallel_loop3A_52 = arith.constant 16 : i32
      %parallel_loop3A_53 = arith.muli %parallel_loop3A_15, %parallel_loop3A_52 : i32
      %parallel_loop3A_54 = arith.constant 4 : i32
      %parallel_loop3A_55 = arith.index_cast %parallel_loop3A_54 : i32 to index
      %parallel_loop3A_56 = arith.index_cast %parallel_loop3A_53 : i32 to index
      %parallel_loop3A_57 = tpu.vector_load %arg7[%parallel_loop3A_55, %parallel_loop3A_56] {strides = array<i32>} : memref<50x256xi32, #tpu.memory_space<vmem>>, vector<16xi32>,
      %parallel_loop3A_58 = arith.constant 16 : i32
      %parallel_loop3A_59 = arith.muli %parallel_loop3A_15, %parallel_loop3A_58 : i32
      %parallel_loop3A_60 = arith.constant 5 : i32
      %parallel_loop3A_61 = arith.index_cast %parallel_loop3A_60 : i32 to index
      %parallel_loop3A_62 = arith.index_cast %parallel_loop3A_59 : i32 to index
      %parallel_loop3A_63 = tpu.vector_load %arg7[%parallel_loop3A_61, %parallel_loop3A_62] {strides = array<i32>} : memref<50x256xi32, #tpu.memory_space<vmem>>, vector<16xi32>,
      %parallel_loop3A_64 = tpu.vector_load_idx %arg6[%parallel_loop3A_57] : memref<102400xf32, #tpu.memory_space<vmem>>[vector<16xi32>], vector<16xf32>,
      %parallel_loop3A_65 = arith.addf %parallel_loop3A_49, %parallel_loop3A_64 : vector<16xf32>
      %parallel_loop3A_66 = tpu.vector_load_idx %arg6[%parallel_loop3A_63] : memref<102400xf32, #tpu.memory_space<vmem>>[vector<16xi32>], vector<16xf32>,
      %parallel_loop3A_67 = arith.addf %parallel_loop3A_51, %parallel_loop3A_66 : vector<16xf32>
      %parallel_loop3A_68 = arith.constant 16 : i32
      %parallel_loop3A_69 = arith.muli %parallel_loop3A_15, %parallel_loop3A_68 : i32
      %parallel_loop3A_70 = arith.constant 6 : i32
      %parallel_loop3A_71 = arith.index_cast %parallel_loop3A_70 : i32 to index
      %parallel_loop3A_72 = arith.index_cast %parallel_loop3A_69 : i32 to index
      %parallel_loop3A_73 = tpu.vector_load %arg7[%parallel_loop3A_71, %parallel_loop3A_72] {strides = array<i32>} : memref<50x256xi32, #tpu.memory_space<vmem>>, vector<16xi32>,
      %parallel_loop3A_74 = arith.constant 16 : i32
      %parallel_loop3A_75 = arith.muli %parallel_loop3A_15, %parallel_loop3A_74 : i32
      %parallel_loop3A_76 = arith.constant 7 : i32
      %parallel_loop3A_77 = arith.index_cast %parallel_loop3A_76 : i32 to index
      %parallel_loop3A_78 = arith.index_cast %parallel_loop3A_75 : i32 to index
      %parallel_loop3A_79 = tpu.vector_load %arg7[%parallel_loop3A_77, %parallel_loop3A_78] {strides = array<i32>} : memref<50x256xi32, #tpu.memory_space<vmem>>, vector<16xi32>,
      %parallel_loop3A_80 = tpu.vector_load_idx %arg6[%parallel_loop3A_73] : memref<102400xf32, #tpu.memory_space<vmem>>[vector<16xi32>], vector<16xf32>,
      %parallel_loop3A_81 = arith.addf %parallel_loop3A_65, %parallel_loop3A_80 : vector<16xf32>
      %parallel_loop3A_82 = tpu.vector_load_idx %arg6[%parallel_loop3A_79] : memref<102400xf32, #tpu.memory_space<vmem>>[vector<16xi32>], vector<16xf32>,
      %parallel_loop3A_83 = arith.addf %parallel_loop3A_67, %parallel_loop3A_82 : vector<16xf32>
      %parallel_loop3A_84 = arith.constant 16 : i32
      %parallel_loop3A_85 = arith.muli %parallel_loop3A_15, %parallel_loop3A_84 : i32
      %parallel_loop3A_86 = arith.constant 8 : i32
      %parallel_loop3A_87 = arith.index_cast %parallel_loop3A_86 : i32 to index
      %parallel_loop3A_88 = arith.index_cast %parallel_loop3A_85 : i32 to index
      %parallel_loop3A_89 = tpu.vector_load %arg7[%parallel_loop3A_87, %parallel_loop3A_88] {strides = array<i32>} : memref<50x256xi32, #tpu.memory_space<vmem>>, vector<16xi32>,
      %parallel_loop3A_90 = arith.constant 16 : i32
      %parallel_loop3A_91 = arith.muli %parallel_loop3A_15, %parallel_loop3A_90 : i32
      %parallel_loop3A_92 = arith.constant 9 : i32
      %parallel_loop3A_93 = arith.index_cast %parallel_loop3A_92 : i32 to index
      %parallel_loop3A_94 = arith.index_cast %parallel_loop3A_91 : i32 to index
      %parallel_loop3A_95 = tpu.vector_load %arg7[%parallel_loop3A_93, %parallel_loop3A_94] {strides = array<i32>} : memref<50x256xi32, #tpu.memory_space<vmem>>, vector<16xi32>,
      %parallel_loop3A_96 = tpu.vector_load_idx %arg6[%parallel_loop3A_89] : memref<102400xf32, #tpu.memory_space<vmem>>[vector<16xi32>], vector<16xf32>,
      %parallel_loop3A_97 = arith.addf %parallel_loop3A_81, %parallel_loop3A_96 : vector<16xf32>
      %parallel_loop3A_98 = tpu.vector_load_idx %arg6[%parallel_loop3A_95] : memref<102400xf32, #tpu.memory_space<vmem>>[vector<16xi32>], vector<16xf32>,
      %parallel_loop3A_99 = arith.addf %parallel_loop3A_83, %parallel_loop3A_98 : vector<16xf32>
      %parallel_loop3A_100 = arith.constant 16 : i32
      %parallel_loop3A_101 = arith.muli %parallel_loop3A_15, %parallel_loop3A_100 : i32
      %parallel_loop3A_102 = arith.constant 10 : i32
      %parallel_loop3A_103 = arith.index_cast %parallel_loop3A_102 : i32 to index
      %parallel_loop3A_104 = arith.index_cast %parallel_loop3A_101 : i32 to index
      %parallel_loop3A_105 = tpu.vector_load %arg7[%parallel_loop3A_103, %parallel_loop3A_104] {strides = array<i32>} : memref<50x256xi32, #tpu.memory_space<vmem>>, vector<16xi32>,
      %parallel_loop3A_106 = arith.constant 16 : i32
      %parallel_loop3A_107 = arith.muli %parallel_loop3A_15, %parallel_loop3A_106 : i32
      %parallel_loop3A_108 = arith.constant 11 : i32
      %parallel_loop3A_109 = arith.index_cast %parallel_loop3A_108 : i32 to index
      %parallel_loop3A_110 = arith.index_cast %parallel_loop3A_107 : i32 to index
      %parallel_loop3A_111 = tpu.vector_load %arg7[%parallel_loop3A_109, %parallel_loop3A_110] {strides = array<i32>} : memref<50x256xi32, #tpu.memory_space<vmem>>, vector<16xi32>,
      %parallel_loop3A_112 = tpu.vector_load_idx %arg6[%parallel_loop3A_105] : memref<102400xf32, #tpu.memory_space<vmem>>[vector<16xi32>], vector<16xf32>,
      %parallel_loop3A_113 = arith.addf %parallel_loop3A_97, %parallel_loop3A_112 : vector<16xf32>
      %parallel_loop3A_114 = tpu.vector_load_idx %arg6[%parallel_loop3A_111] : memref<102400xf32, #tpu.memory_space<vmem>>[vector<16xi32>], vector<16xf32>,
      %parallel_loop3A_115 = arith.addf %parallel_loop3A_99, %parallel_loop3A_114 : vector<16xf32>
      %parallel_loop3A_116 = arith.constant 16 : i32
      %parallel_loop3A_117 = arith.muli %parallel_loop3A_15, %parallel_loop3A_116 : i32
      %parallel_loop3A_118 = arith.constant 12 : i32
      %parallel_loop3A_119 = arith.index_cast %parallel_loop3A_118 : i32 to index
      %parallel_loop3A_120 = arith.index_cast %parallel_loop3A_117 : i32 to index
      %parallel_loop3A_121 = tpu.vector_load %arg7[%parallel_loop3A_119, %parallel_loop3A_120] {strides = array<i32>} : memref<50x256xi32, #tpu.memory_space<vmem>>, vector<16xi32>,
      %parallel_loop3A_122 = arith.constant 16 : i32
      %parallel_loop3A_123 = arith.muli %parallel_loop3A_15, %parallel_loop3A_122 : i32
      %parallel_loop3A_124 = arith.constant 13 : i32
      %parallel_loop3A_125 = arith.index_cast %parallel_loop3A_124 : i32 to index
      %parallel_loop3A_126 = arith.index_cast %parallel_loop3A_123 : i32 to index
      %parallel_loop3A_127 = tpu.vector_load %arg7[%parallel_loop3A_125, %parallel_loop3A_126] {strides = array<i32>} : memref<50x256xi32, #tpu.memory_space<vmem>>, vector<16xi32>,
      %parallel_loop3A_128 = tpu.vector_load_idx %arg6[%parallel_loop3A_121] : memref<102400xf32, #tpu.memory_space<vmem>>[vector<16xi32>], vector<16xf32>,
      %parallel_loop3A_129 = arith.addf %parallel_loop3A_113, %parallel_loop3A_128 : vector<16xf32>
      %parallel_loop3A_130 = tpu.vector_load_idx %arg6[%parallel_loop3A_127] : memref<102400xf32, #tpu.memory_space<vmem>>[vector<16xi32>], vector<16xf32>,
      %parallel_loop3A_131 = arith.addf %parallel_loop3A_115, %parallel_loop3A_130 : vector<16xf32>
      %parallel_loop3A_132 = arith.constant 16 : i32
      %parallel_loop3A_133 = arith.muli %parallel_loop3A_15, %parallel_loop3A_132 : i32
      %parallel_loop3A_134 = arith.constant 14 : i32
      %parallel_loop3A_135 = arith.index_cast %parallel_loop3A_134 : i32 to index
      %parallel_loop3A_136 = arith.index_cast %parallel_loop3A_133 : i32 to index
      %parallel_loop3A_137 = tpu.vector_load %arg7[%parallel_loop3A_135, %parallel_loop3A_136] {strides = array<i32>} : memref<50x256xi32, #tpu.memory_space<vmem>>, vector<16xi32>,
      %parallel_loop3A_138 = arith.constant 16 : i32
      %parallel_loop3A_139 = arith.muli %parallel_loop3A_15, %parallel_loop3A_138 : i32
      %parallel_loop3A_140 = arith.constant 15 : i32
      %parallel_loop3A_141 = arith.index_cast %parallel_loop3A_140 : i32 to index
      %parallel_loop3A_142 = arith.index_cast %parallel_loop3A_139 : i32 to index
      %parallel_loop3A_143 = tpu.vector_load %arg7[%parallel_loop3A_141, %parallel_loop3A_142] {strides = array<i32>} : memref<50x256xi32, #tpu.memory_space<vmem>>, vector<16xi32>,
      %parallel_loop3A_144 = tpu.vector_load_idx %arg6[%parallel_loop3A_137] : memref<102400xf32, #tpu.memory_space<vmem>>[vector<16xi32>], vector<16xf32>,
      %parallel_loop3A_145 = arith.addf %parallel_loop3A_129, %parallel_loop3A_144 : vector<16xf32>
      %parallel_loop3A_146 = tpu.vector_load_idx %arg6[%parallel_loop3A_143] : memref<102400xf32, #tpu.memory_space<vmem>>[vector<16xi32>], vector<16xf32>,
      %parallel_loop3A_147 = arith.addf %parallel_loop3A_131, %parallel_loop3A_146 : vector<16xf32>
      %parallel_loop3A_148 = arith.constant 16 : i32
      %parallel_loop3A_149 = arith.muli %parallel_loop3A_15, %parallel_loop3A_148 : i32
      %parallel_loop3A_150 = arith.constant 16 : i32
      %parallel_loop3A_151 = arith.index_cast %parallel_loop3A_150 : i32 to index
      %parallel_loop3A_152 = arith.index_cast %parallel_loop3A_149 : i32 to index
      %parallel_loop3A_153 = tpu.vector_load %arg7[%parallel_loop3A_151, %parallel_loop3A_152] {strides = array<i32>} : memref<50x256xi32, #tpu.memory_space<vmem>>, vector<16xi32>,
      %parallel_loop3A_154 = arith.constant 16 : i32
      %parallel_loop3A_155 = arith.muli %parallel_loop3A_15, %parallel_loop3A_154 : i32
      %parallel_loop3A_156 = arith.constant 17 : i32
      %parallel_loop3A_157 = arith.index_cast %parallel_loop3A_156 : i32 to index
      %parallel_loop3A_158 = arith.index_cast %parallel_loop3A_155 : i32 to index
      %parallel_loop3A_159 = tpu.vector_load %arg7[%parallel_loop3A_157, %parallel_loop3A_158] {strides = array<i32>} : memref<50x256xi32, #tpu.memory_space<vmem>>, vector<16xi32>,
      %parallel_loop3A_160 = tpu.vector_load_idx %arg6[%parallel_loop3A_153] : memref<102400xf32, #tpu.memory_space<vmem>>[vector<16xi32>], vector<16xf32>,
      %parallel_loop3A_161 = arith.addf %parallel_loop3A_145, %parallel_loop3A_160 : vector<16xf32>
      %parallel_loop3A_162 = tpu.vector_load_idx %arg6[%parallel_loop3A_159] : memref<102400xf32, #tpu.memory_space<vmem>>[vector<16xi32>], vector<16xf32>,
      %parallel_loop3A_163 = arith.addf %parallel_loop3A_147, %parallel_loop3A_162 : vector<16xf32>
      %parallel_loop3A_164 = arith.constant 16 : i32
      %parallel_loop3A_165 = arith.muli %parallel_loop3A_15, %parallel_loop3A_164 : i32
      %parallel_loop3A_166 = arith.constant 18 : i32
      %parallel_loop3A_167 = arith.index_cast %parallel_loop3A_166 : i32 to index
      %parallel_loop3A_168 = arith.index_cast %parallel_loop3A_165 : i32 to index
      %parallel_loop3A_169 = tpu.vector_load %arg7[%parallel_loop3A_167, %parallel_loop3A_168] {strides = array<i32>} : memref<50x256xi32, #tpu.memory_space<vmem>>, vector<16xi32>,
      %parallel_loop3A_170 = arith.constant 16 : i32
      %parallel_loop3A_171 = arith.muli %parallel_loop3A_15, %parallel_loop3A_170 : i32
      %parallel_loop3A_172 = arith.constant 19 : i32
      %parallel_loop3A_173 = arith.index_cast %parallel_loop3A_172 : i32 to index
      %parallel_loop3A_174 = arith.index_cast %parallel_loop3A_171 : i32 to index
      %parallel_loop3A_175 = tpu.vector_load %arg7[%parallel_loop3A_173, %parallel_loop3A_174] {strides = array<i32>} : memref<50x256xi32, #tpu.memory_space<vmem>>, vector<16xi32>,
      %parallel_loop3A_176 = tpu.vector_load_idx %arg6[%parallel_loop3A_169] : memref<102400xf32, #tpu.memory_space<vmem>>[vector<16xi32>], vector<16xf32>,
      %parallel_loop3A_177 = arith.addf %parallel_loop3A_161, %parallel_loop3A_176 : vector<16xf32>
      %parallel_loop3A_178 = tpu.vector_load_idx %arg6[%parallel_loop3A_175] : memref<102400xf32, #tpu.memory_space<vmem>>[vector<16xi32>], vector<16xf32>,
      %parallel_loop3A_179 = arith.addf %parallel_loop3A_163, %parallel_loop3A_178 : vector<16xf32>
      %parallel_loop3A_180 = arith.constant 16 : i32
      %parallel_loop3A_181 = arith.muli %parallel_loop3A_15, %parallel_loop3A_180 : i32
      %parallel_loop3A_182 = arith.constant 20 : i32
      %parallel_loop3A_183 = arith.index_cast %parallel_loop3A_182 : i32 to index
      %parallel_loop3A_184 = arith.index_cast %parallel_loop3A_181 : i32 to index
      %parallel_loop3A_185 = tpu.vector_load %arg7[%parallel_loop3A_183, %parallel_loop3A_184] {strides = array<i32>} : memref<50x256xi32, #tpu.memory_space<vmem>>, vector<16xi32>,
      %parallel_loop3A_186 = arith.constant 16 : i32
      %parallel_loop3A_187 = arith.muli %parallel_loop3A_15, %parallel_loop3A_186 : i32
      %parallel_loop3A_188 = arith.constant 21 : i32
      %parallel_loop3A_189 = arith.index_cast %parallel_loop3A_188 : i32 to index
      %parallel_loop3A_190 = arith.index_cast %parallel_loop3A_187 : i32 to index
      %parallel_loop3A_191 = tpu.vector_load %arg7[%parallel_loop3A_189, %parallel_loop3A_190] {strides = array<i32>} : memref<50x256xi32, #tpu.memory_space<vmem>>, vector<16xi32>,
      %parallel_loop3A_192 = tpu.vector_load_idx %arg6[%parallel_loop3A_185] : memref<102400xf32, #tpu.memory_space<vmem>>[vector<16xi32>], vector<16xf32>,
      %parallel_loop3A_193 = arith.addf %parallel_loop3A_177, %parallel_loop3A_192 : vector<16xf32>
      %parallel_loop3A_194 = tpu.vector_load_idx %arg6[%parallel_loop3A_191] : memref<102400xf32, #tpu.memory_space<vmem>>[vector<16xi32>], vector<16xf32>,
      %parallel_loop3A_195 = arith.addf %parallel_loop3A_179, %parallel_loop3A_194 : vector<16xf32>
      %parallel_loop3A_196 = arith.constant 16 : i32
      %parallel_loop3A_197 = arith.muli %parallel_loop3A_15, %parallel_loop3A_196 : i32
      %parallel_loop3A_198 = arith.constant 22 : i32
      %parallel_loop3A_199 = arith.index_cast %parallel_loop3A_198 : i32 to index
      %parallel_loop3A_200 = arith.index_cast %parallel_loop3A_197 : i32 to index
      %parallel_loop3A_201 = tpu.vector_load %arg7[%parallel_loop3A_199, %parallel_loop3A_200] {strides = array<i32>} : memref<50x256xi32, #tpu.memory_space<vmem>>, vector<16xi32>,
      %parallel_loop3A_202 = arith.constant 16 : i32
      %parallel_loop3A_203 = arith.muli %parallel_loop3A_15, %parallel_loop3A_202 : i32
      %parallel_loop3A_204 = arith.constant 23 : i32
      %parallel_loop3A_205 = arith.index_cast %parallel_loop3A_204 : i32 to index
      %parallel_loop3A_206 = arith.index_cast %parallel_loop3A_203 : i32 to index
      %parallel_loop3A_207 = tpu.vector_load %arg7[%parallel_loop3A_205, %parallel_loop3A_206] {strides = array<i32>} : memref<50x256xi32, #tpu.memory_space<vmem>>, vector<16xi32>,
      %parallel_loop3A_208 = tpu.vector_load_idx %arg6[%parallel_loop3A_201] : memref<102400xf32, #tpu.memory_space<vmem>>[vector<16xi32>], vector<16xf32>,
      %parallel_loop3A_209 = arith.addf %parallel_loop3A_193, %parallel_loop3A_208 : vector<16xf32>
      %parallel_loop3A_210 = tpu.vector_load_idx %arg6[%parallel_loop3A_207] : memref<102400xf32, #tpu.memory_space<vmem>>[vector<16xi32>], vector<16xf32>,
      %parallel_loop3A_211 = arith.addf %parallel_loop3A_195, %parallel_loop3A_210 : vector<16xf32>
      %parallel_loop3A_212 = arith.constant 16 : i32
      %parallel_loop3A_213 = arith.muli %parallel_loop3A_15, %parallel_loop3A_212 : i32
      %parallel_loop3A_214 = arith.constant 24 : i32
      %parallel_loop3A_215 = arith.index_cast %parallel_loop3A_214 : i32 to index
      %parallel_loop3A_216 = arith.index_cast %parallel_loop3A_213 : i32 to index
      %parallel_loop3A_217 = tpu.vector_load %arg7[%parallel_loop3A_215, %parallel_loop3A_216] {strides = array<i32>} : memref<50x256xi32, #tpu.memory_space<vmem>>, vector<16xi32>,
      %parallel_loop3A_218 = arith.constant 16 : i32
      %parallel_loop3A_219 = arith.muli %parallel_loop3A_15, %parallel_loop3A_218 : i32
      %parallel_loop3A_220 = arith.constant 25 : i32
      %parallel_loop3A_221 = arith.index_cast %parallel_loop3A_220 : i32 to index
      %parallel_loop3A_222 = arith.index_cast %parallel_loop3A_219 : i32 to index
      %parallel_loop3A_223 = tpu.vector_load %arg7[%parallel_loop3A_221, %parallel_loop3A_222] {strides = array<i32>} : memref<50x256xi32, #tpu.memory_space<vmem>>, vector<16xi32>,
      %parallel_loop3A_224 = tpu.vector_load_idx %arg6[%parallel_loop3A_217] : memref<102400xf32, #tpu.memory_space<vmem>>[vector<16xi32>], vector<16xf32>,
      %parallel_loop3A_225 = arith.addf %parallel_loop3A_209, %parallel_loop3A_224 : vector<16xf32>
      %parallel_loop3A_226 = tpu.vector_load_idx %arg6[%parallel_loop3A_223] : memref<102400xf32, #tpu.memory_space<vmem>>[vector<16xi32>], vector<16xf32>,
      %parallel_loop3A_227 = arith.addf %parallel_loop3A_211, %parallel_loop3A_226 : vector<16xf32>
      %parallel_loop3A_228 = arith.constant 16 : i32
      %parallel_loop3A_229 = arith.muli %parallel_loop3A_15, %parallel_loop3A_228 : i32
      %parallel_loop3A_230 = arith.constant 26 : i32
      %parallel_loop3A_231 = arith.index_cast %parallel_loop3A_230 : i32 to index
      %parallel_loop3A_232 = arith.index_cast %parallel_loop3A_229 : i32 to index
      %parallel_loop3A_233 = tpu.vector_load %arg7[%parallel_loop3A_231, %parallel_loop3A_232] {strides = array<i32>} : memref<50x256xi32, #tpu.memory_space<vmem>>, vector<16xi32>,
      %parallel_loop3A_234 = arith.constant 16 : i32
      %parallel_loop3A_235 = arith.muli %parallel_loop3A_15, %parallel_loop3A_234 : i32
      %parallel_loop3A_236 = arith.constant 27 : i32
      %parallel_loop3A_237 = arith.index_cast %parallel_loop3A_236 : i32 to index
      %parallel_loop3A_238 = arith.index_cast %parallel_loop3A_235 : i32 to index
      %parallel_loop3A_239 = tpu.vector_load %arg7[%parallel_loop3A_237, %parallel_loop3A_238] {strides = array<i32>} : memref<50x256xi32, #tpu.memory_space<vmem>>, vector<16xi32>,
      %parallel_loop3A_240 = tpu.vector_load_idx %arg6[%parallel_loop3A_233] : memref<102400xf32, #tpu.memory_space<vmem>>[vector<16xi32>], vector<16xf32>,
      %parallel_loop3A_241 = arith.addf %parallel_loop3A_225, %parallel_loop3A_240 : vector<16xf32>
      %parallel_loop3A_242 = tpu.vector_load_idx %arg6[%parallel_loop3A_239] : memref<102400xf32, #tpu.memory_space<vmem>>[vector<16xi32>], vector<16xf32>,
      %parallel_loop3A_243 = arith.addf %parallel_loop3A_227, %parallel_loop3A_242 : vector<16xf32>
      %parallel_loop3A_244 = arith.constant 16 : i32
      %parallel_loop3A_245 = arith.muli %parallel_loop3A_15, %parallel_loop3A_244 : i32
      %parallel_loop3A_246 = arith.constant 28 : i32
      %parallel_loop3A_247 = arith.index_cast %parallel_loop3A_246 : i32 to index
      %parallel_loop3A_248 = arith.index_cast %parallel_loop3A_245 : i32 to index
      %parallel_loop3A_249 = tpu.vector_load %arg7[%parallel_loop3A_247, %parallel_loop3A_248] {strides = array<i32>} : memref<50x256xi32, #tpu.memory_space<vmem>>, vector<16xi32>,
      %parallel_loop3A_250 = arith.constant 16 : i32
      %parallel_loop3A_251 = arith.muli %parallel_loop3A_15, %parallel_loop3A_250 : i32
      %parallel_loop3A_252 = arith.constant 29 : i32
      %parallel_loop3A_253 = arith.index_cast %parallel_loop3A_252 : i32 to index
      %parallel_loop3A_254 = arith.index_cast %parallel_loop3A_251 : i32 to index
      %parallel_loop3A_255 = tpu.vector_load %arg7[%parallel_loop3A_253, %parallel_loop3A_254] {strides = array<i32>} : memref<50x256xi32, #tpu.memory_space<vmem>>, vector<16xi32>,
      %parallel_loop3A_256 = tpu.vector_load_idx %arg6[%parallel_loop3A_249] : memref<102400xf32, #tpu.memory_space<vmem>>[vector<16xi32>], vector<16xf32>,
      %parallel_loop3A_257 = arith.addf %parallel_loop3A_241, %parallel_loop3A_256 : vector<16xf32>
      %parallel_loop3A_258 = tpu.vector_load_idx %arg6[%parallel_loop3A_255] : memref<102400xf32, #tpu.memory_space<vmem>>[vector<16xi32>], vector<16xf32>,
      %parallel_loop3A_259 = arith.addf %parallel_loop3A_243, %parallel_loop3A_258 : vector<16xf32>
      %parallel_loop3A_260 = arith.constant 16 : i32
      %parallel_loop3A_261 = arith.muli %parallel_loop3A_15, %parallel_loop3A_260 : i32
      %parallel_loop3A_262 = arith.constant 30 : i32
      %parallel_loop3A_263 = arith.index_cast %parallel_loop3A_262 : i32 to index
      %parallel_loop3A_264 = arith.index_cast %parallel_loop3A_261 : i32 to index
      %parallel_loop3A_265 = tpu.vector_load %arg7[%parallel_loop3A_263, %parallel_loop3A_264] {strides = array<i32>} : memref<50x256xi32, #tpu.memory_space<vmem>>, vector<16xi32>,
      %parallel_loop3A_266 = arith.constant 16 : i32
      %parallel_loop3A_267 = arith.muli %parallel_loop3A_15, %parallel_loop3A_266 : i32
      %parallel_loop3A_268 = arith.constant 31 : i32
      %parallel_loop3A_269 = arith.index_cast %parallel_loop3A_268 : i32 to index
      %parallel_loop3A_270 = arith.index_cast %parallel_loop3A_267 : i32 to index
      %parallel_loop3A_271 = tpu.vector_load %arg7[%parallel_loop3A_269, %parallel_loop3A_270] {strides = array<i32>} : memref<50x256xi32, #tpu.memory_space<vmem>>, vector<16xi32>,
      %parallel_loop3A_272 = tpu.vector_load_idx %arg6[%parallel_loop3A_265] : memref<102400xf32, #tpu.memory_space<vmem>>[vector<16xi32>], vector<16xf32>,
      %parallel_loop3A_273 = arith.addf %parallel_loop3A_257, %parallel_loop3A_272 : vector<16xf32>
      %parallel_loop3A_274 = tpu.vector_load_idx %arg6[%parallel_loop3A_271] : memref<102400xf32, #tpu.memory_space<vmem>>[vector<16xi32>], vector<16xf32>,
      %parallel_loop3A_275 = arith.addf %parallel_loop3A_259, %parallel_loop3A_274 : vector<16xf32>
      %parallel_loop3A_276 = arith.constant 16 : i32
      %parallel_loop3A_277 = arith.muli %parallel_loop3A_15, %parallel_loop3A_276 : i32
      %parallel_loop3A_278 = arith.constant 32 : i32
      %parallel_loop3A_279 = arith.index_cast %parallel_loop3A_278 : i32 to index
      %parallel_loop3A_280 = arith.index_cast %parallel_loop3A_277 : i32 to index
      %parallel_loop3A_281 = tpu.vector_load %arg7[%parallel_loop3A_279, %parallel_loop3A_280] {strides = array<i32>} : memref<50x256xi32, #tpu.memory_space<vmem>>, vector<16xi32>,
      %parallel_loop3A_282 = arith.constant 16 : i32
      %parallel_loop3A_283 = arith.muli %parallel_loop3A_15, %parallel_loop3A_282 : i32
      %parallel_loop3A_284 = arith.constant 33 : i32
      %parallel_loop3A_285 = arith.index_cast %parallel_loop3A_284 : i32 to index
      %parallel_loop3A_286 = arith.index_cast %parallel_loop3A_283 : i32 to index
      %parallel_loop3A_287 = tpu.vector_load %arg7[%parallel_loop3A_285, %parallel_loop3A_286] {strides = array<i32>} : memref<50x256xi32, #tpu.memory_space<vmem>>, vector<16xi32>,
      %parallel_loop3A_288 = tpu.vector_load_idx %arg6[%parallel_loop3A_281] : memref<102400xf32, #tpu.memory_space<vmem>>[vector<16xi32>], vector<16xf32>,
      %parallel_loop3A_289 = arith.addf %parallel_loop3A_273, %parallel_loop3A_288 : vector<16xf32>
      %parallel_loop3A_290 = tpu.vector_load_idx %arg6[%parallel_loop3A_287] : memref<102400xf32, #tpu.memory_space<vmem>>[vector<16xi32>], vector<16xf32>,
      %parallel_loop3A_291 = arith.addf %parallel_loop3A_275, %parallel_loop3A_290 : vector<16xf32>
      %parallel_loop3A_292 = arith.constant 16 : i32
      %parallel_loop3A_293 = arith.muli %parallel_loop3A_15, %parallel_loop3A_292 : i32
      %parallel_loop3A_294 = arith.constant 34 : i32
      %parallel_loop3A_295 = arith.index_cast %parallel_loop3A_294 : i32 to index
      %parallel_loop3A_296 = arith.index_cast %parallel_loop3A_293 : i32 to index
      %parallel_loop3A_297 = tpu.vector_load %arg7[%parallel_loop3A_295, %parallel_loop3A_296] {strides = array<i32>} : memref<50x256xi32, #tpu.memory_space<vmem>>, vector<16xi32>,
      %parallel_loop3A_298 = arith.constant 16 : i32
      %parallel_loop3A_299 = arith.muli %parallel_loop3A_15, %parallel_loop3A_298 : i32
      %parallel_loop3A_300 = arith.constant 35 : i32
      %parallel_loop3A_301 = arith.index_cast %parallel_loop3A_300 : i32 to index
      %parallel_loop3A_302 = arith.index_cast %parallel_loop3A_299 : i32 to index
      %parallel_loop3A_303 = tpu.vector_load %arg7[%parallel_loop3A_301, %parallel_loop3A_302] {strides = array<i32>} : memref<50x256xi32, #tpu.memory_space<vmem>>, vector<16xi32>,
      %parallel_loop3A_304 = tpu.vector_load_idx %arg6[%parallel_loop3A_297] : memref<102400xf32, #tpu.memory_space<vmem>>[vector<16xi32>], vector<16xf32>,
      %parallel_loop3A_305 = arith.addf %parallel_loop3A_289, %parallel_loop3A_304 : vector<16xf32>
      %parallel_loop3A_306 = tpu.vector_load_idx %arg6[%parallel_loop3A_303] : memref<102400xf32, #tpu.memory_space<vmem>>[vector<16xi32>], vector<16xf32>,
      %parallel_loop3A_307 = arith.addf %parallel_loop3A_291, %parallel_loop3A_306 : vector<16xf32>
      %parallel_loop3A_308 = arith.constant 16 : i32
      %parallel_loop3A_309 = arith.muli %parallel_loop3A_15, %parallel_loop3A_308 : i32
      %parallel_loop3A_310 = arith.constant 36 : i32
      %parallel_loop3A_311 = arith.index_cast %parallel_loop3A_310 : i32 to index
      %parallel_loop3A_312 = arith.index_cast %parallel_loop3A_309 : i32 to index
      %parallel_loop3A_313 = tpu.vector_load %arg7[%parallel_loop3A_311, %parallel_loop3A_312] {strides = array<i32>} : memref<50x256xi32, #tpu.memory_space<vmem>>, vector<16xi32>,
      %parallel_loop3A_314 = arith.constant 16 : i32
      %parallel_loop3A_315 = arith.muli %parallel_loop3A_15, %parallel_loop3A_314 : i32
      %parallel_loop3A_316 = arith.constant 37 : i32
      %parallel_loop3A_317 = arith.index_cast %parallel_loop3A_316 : i32 to index
      %parallel_loop3A_318 = arith.index_cast %parallel_loop3A_315 : i32 to index
      %parallel_loop3A_319 = tpu.vector_load %arg7[%parallel_loop3A_317, %parallel_loop3A_318] {strides = array<i32>} : memref<50x256xi32, #tpu.memory_space<vmem>>, vector<16xi32>,
      %parallel_loop3A_320 = tpu.vector_load_idx %arg6[%parallel_loop3A_313] : memref<102400xf32, #tpu.memory_space<vmem>>[vector<16xi32>], vector<16xf32>,
      %parallel_loop3A_321 = arith.addf %parallel_loop3A_305, %parallel_loop3A_320 : vector<16xf32>
      %parallel_loop3A_322 = tpu.vector_load_idx %arg6[%parallel_loop3A_319] : memref<102400xf32, #tpu.memory_space<vmem>>[vector<16xi32>], vector<16xf32>,
      %parallel_loop3A_323 = arith.addf %parallel_loop3A_307, %parallel_loop3A_322 : vector<16xf32>
      %parallel_loop3A_324 = arith.constant 16 : i32
      %parallel_loop3A_325 = arith.muli %parallel_loop3A_15, %parallel_loop3A_324 : i32
      %parallel_loop3A_326 = arith.constant 38 : i32
      %parallel_loop3A_327 = arith.index_cast %parallel_loop3A_326 : i32 to index
      %parallel_loop3A_328 = arith.index_cast %parallel_loop3A_325 : i32 to index
      %parallel_loop3A_329 = tpu.vector_load %arg7[%parallel_loop3A_327, %parallel_loop3A_328] {strides = array<i32>} : memref<50x256xi32, #tpu.memory_space<vmem>>, vector<16xi32>,
      %parallel_loop3A_330 = arith.constant 16 : i32
      %parallel_loop3A_331 = arith.muli %parallel_loop3A_15, %parallel_loop3A_330 : i32
      %parallel_loop3A_332 = arith.constant 39 : i32
      %parallel_loop3A_333 = arith.index_cast %parallel_loop3A_332 : i32 to index
      %parallel_loop3A_334 = arith.index_cast %parallel_loop3A_331 : i32 to index
      %parallel_loop3A_335 = tpu.vector_load %arg7[%parallel_loop3A_333, %parallel_loop3A_334] {strides = array<i32>} : memref<50x256xi32, #tpu.memory_space<vmem>>, vector<16xi32>,
      %parallel_loop3A_336 = tpu.vector_load_idx %arg6[%parallel_loop3A_329] : memref<102400xf32, #tpu.memory_space<vmem>>[vector<16xi32>], vector<16xf32>,
      %parallel_loop3A_337 = arith.addf %parallel_loop3A_321, %parallel_loop3A_336 : vector<16xf32>
      %parallel_loop3A_338 = tpu.vector_load_idx %arg6[%parallel_loop3A_335] : memref<102400xf32, #tpu.memory_space<vmem>>[vector<16xi32>], vector<16xf32>,
      %parallel_loop3A_339 = arith.addf %parallel_loop3A_323, %parallel_loop3A_338 : vector<16xf32>
      %parallel_loop3A_340 = arith.constant 16 : i32
      %parallel_loop3A_341 = arith.muli %parallel_loop3A_15, %parallel_loop3A_340 : i32
      %parallel_loop3A_342 = arith.constant 40 : i32
      %parallel_loop3A_343 = arith.index_cast %parallel_loop3A_342 : i32 to index
      %parallel_loop3A_344 = arith.index_cast %parallel_loop3A_341 : i32 to index
      %parallel_loop3A_345 = tpu.vector_load %arg7[%parallel_loop3A_343, %parallel_loop3A_344] {strides = array<i32>} : memref<50x256xi32, #tpu.memory_space<vmem>>, vector<16xi32>,
      %parallel_loop3A_346 = arith.constant 16 : i32
      %parallel_loop3A_347 = arith.muli %parallel_loop3A_15, %parallel_loop3A_346 : i32
      %parallel_loop3A_348 = arith.constant 41 : i32
      %parallel_loop3A_349 = arith.index_cast %parallel_loop3A_348 : i32 to index
      %parallel_loop3A_350 = arith.index_cast %parallel_loop3A_347 : i32 to index
      %parallel_loop3A_351 = tpu.vector_load %arg7[%parallel_loop3A_349, %parallel_loop3A_350] {strides = array<i32>} : memref<50x256xi32, #tpu.memory_space<vmem>>, vector<16xi32>,
      %parallel_loop3A_352 = tpu.vector_load_idx %arg6[%parallel_loop3A_345] : memref<102400xf32, #tpu.memory_space<vmem>>[vector<16xi32>], vector<16xf32>,
      %parallel_loop3A_353 = arith.addf %parallel_loop3A_337, %parallel_loop3A_352 : vector<16xf32>
      %parallel_loop3A_354 = tpu.vector_load_idx %arg6[%parallel_loop3A_351] : memref<102400xf32, #tpu.memory_space<vmem>>[vector<16xi32>], vector<16xf32>,
      %parallel_loop3A_355 = arith.addf %parallel_loop3A_339, %parallel_loop3A_354 : vector<16xf32>
      %parallel_loop3A_356 = arith.constant 16 : i32
      %parallel_loop3A_357 = arith.muli %parallel_loop3A_15, %parallel_loop3A_356 : i32
      %parallel_loop3A_358 = arith.constant 42 : i32
      %parallel_loop3A_359 = arith.index_cast %parallel_loop3A_358 : i32 to index
      %parallel_loop3A_360 = arith.index_cast %parallel_loop3A_357 : i32 to index
      %parallel_loop3A_361 = tpu.vector_load %arg7[%parallel_loop3A_359, %parallel_loop3A_360] {strides = array<i32>} : memref<50x256xi32, #tpu.memory_space<vmem>>, vector<16xi32>,
      %parallel_loop3A_362 = arith.constant 16 : i32
      %parallel_loop3A_363 = arith.muli %parallel_loop3A_15, %parallel_loop3A_362 : i32
      %parallel_loop3A_364 = arith.constant 43 : i32
      %parallel_loop3A_365 = arith.index_cast %parallel_loop3A_364 : i32 to index
      %parallel_loop3A_366 = arith.index_cast %parallel_loop3A_363 : i32 to index
      %parallel_loop3A_367 = tpu.vector_load %arg7[%parallel_loop3A_365, %parallel_loop3A_366] {strides = array<i32>} : memref<50x256xi32, #tpu.memory_space<vmem>>, vector<16xi32>,
      %parallel_loop3A_368 = tpu.vector_load_idx %arg6[%parallel_loop3A_361] : memref<102400xf32, #tpu.memory_space<vmem>>[vector<16xi32>], vector<16xf32>,
      %parallel_loop3A_369 = arith.addf %parallel_loop3A_353, %parallel_loop3A_368 : vector<16xf32>
      %parallel_loop3A_370 = tpu.vector_load_idx %arg6[%parallel_loop3A_367] : memref<102400xf32, #tpu.memory_space<vmem>>[vector<16xi32>], vector<16xf32>,
      %parallel_loop3A_371 = arith.addf %parallel_loop3A_355, %parallel_loop3A_370 : vector<16xf32>
      %parallel_loop3A_372 = arith.constant 16 : i32
      %parallel_loop3A_373 = arith.muli %parallel_loop3A_15, %parallel_loop3A_372 : i32
      %parallel_loop3A_374 = arith.constant 44 : i32
      %parallel_loop3A_375 = arith.index_cast %parallel_loop3A_374 : i32 to index
      %parallel_loop3A_376 = arith.index_cast %parallel_loop3A_373 : i32 to index
      %parallel_loop3A_377 = tpu.vector_load %arg7[%parallel_loop3A_375, %parallel_loop3A_376] {strides = array<i32>} : memref<50x256xi32, #tpu.memory_space<vmem>>, vector<16xi32>,
      %parallel_loop3A_378 = arith.constant 16 : i32
      %parallel_loop3A_379 = arith.muli %parallel_loop3A_15, %parallel_loop3A_378 : i32
      %parallel_loop3A_380 = arith.constant 45 : i32
      %parallel_loop3A_381 = arith.index_cast %parallel_loop3A_380 : i32 to index
      %parallel_loop3A_382 = arith.index_cast %parallel_loop3A_379 : i32 to index
      %parallel_loop3A_383 = tpu.vector_load %arg7[%parallel_loop3A_381, %parallel_loop3A_382] {strides = array<i32>} : memref<50x256xi32, #tpu.memory_space<vmem>>, vector<16xi32>,
      %parallel_loop3A_384 = tpu.vector_load_idx %arg6[%parallel_loop3A_377] : memref<102400xf32, #tpu.memory_space<vmem>>[vector<16xi32>], vector<16xf32>,
      %parallel_loop3A_385 = arith.addf %parallel_loop3A_369, %parallel_loop3A_384 : vector<16xf32>
      %parallel_loop3A_386 = tpu.vector_load_idx %arg6[%parallel_loop3A_383] : memref<102400xf32, #tpu.memory_space<vmem>>[vector<16xi32>], vector<16xf32>,
      %parallel_loop3A_387 = arith.addf %parallel_loop3A_371, %parallel_loop3A_386 : vector<16xf32>
      %parallel_loop3A_388 = arith.constant 16 : i32
      %parallel_loop3A_389 = arith.muli %parallel_loop3A_15, %parallel_loop3A_388 : i32
      %parallel_loop3A_390 = arith.constant 46 : i32
      %parallel_loop3A_391 = arith.index_cast %parallel_loop3A_390 : i32 to index
      %parallel_loop3A_392 = arith.index_cast %parallel_loop3A_389 : i32 to index
      %parallel_loop3A_393 = tpu.vector_load %arg7[%parallel_loop3A_391, %parallel_loop3A_392] {strides = array<i32>} : memref<50x256xi32, #tpu.memory_space<vmem>>, vector<16xi32>,
      %parallel_loop3A_394 = arith.constant 16 : i32
      %parallel_loop3A_395 = arith.muli %parallel_loop3A_15, %parallel_loop3A_394 : i32
      %parallel_loop3A_396 = arith.constant 47 : i32
      %parallel_loop3A_397 = arith.index_cast %parallel_loop3A_396 : i32 to index
      %parallel_loop3A_398 = arith.index_cast %parallel_loop3A_395 : i32 to index
      %parallel_loop3A_399 = tpu.vector_load %arg7[%parallel_loop3A_397, %parallel_loop3A_398] {strides = array<i32>} : memref<50x256xi32, #tpu.memory_space<vmem>>, vector<16xi32>,
      %parallel_loop3A_400 = tpu.vector_load_idx %arg6[%parallel_loop3A_393] : memref<102400xf32, #tpu.memory_space<vmem>>[vector<16xi32>], vector<16xf32>,
      %parallel_loop3A_401 = arith.addf %parallel_loop3A_385, %parallel_loop3A_400 : vector<16xf32>
      %parallel_loop3A_402 = tpu.vector_load_idx %arg6[%parallel_loop3A_399] : memref<102400xf32, #tpu.memory_space<vmem>>[vector<16xi32>], vector<16xf32>,
      %parallel_loop3A_403 = arith.addf %parallel_loop3A_387, %parallel_loop3A_402 : vector<16xf32>
      %parallel_loop3A_404 = arith.constant 16 : i32
      %parallel_loop3A_405 = arith.muli %parallel_loop3A_15, %parallel_loop3A_404 : i32
      %parallel_loop3A_406 = arith.constant 48 : i32
      %parallel_loop3A_407 = arith.index_cast %parallel_loop3A_406 : i32 to index
      %parallel_loop3A_408 = arith.index_cast %parallel_loop3A_405 : i32 to index
      %parallel_loop3A_409 = tpu.vector_load %arg7[%parallel_loop3A_407, %parallel_loop3A_408] {strides = array<i32>} : memref<50x256xi32, #tpu.memory_space<vmem>>, vector<16xi32>,
      %parallel_loop3A_410 = arith.constant 16 : i32
      %parallel_loop3A_411 = arith.muli %parallel_loop3A_15, %parallel_loop3A_410 : i32
      %parallel_loop3A_412 = arith.constant 49 : i32
      %parallel_loop3A_413 = arith.index_cast %parallel_loop3A_412 : i32 to index
      %parallel_loop3A_414 = arith.index_cast %parallel_loop3A_411 : i32 to index
      %parallel_loop3A_415 = tpu.vector_load %arg7[%parallel_loop3A_413, %parallel_loop3A_414] {strides = array<i32>} : memref<50x256xi32, #tpu.memory_space<vmem>>, vector<16xi32>,
      %parallel_loop3A_416 = tpu.vector_load_idx %arg6[%parallel_loop3A_409] : memref<102400xf32, #tpu.memory_space<vmem>>[vector<16xi32>], vector<16xf32>,
      %parallel_loop3A_417 = arith.addf %parallel_loop3A_401, %parallel_loop3A_416 : vector<16xf32>
      %parallel_loop3A_418 = tpu.vector_load_idx %arg6[%parallel_loop3A_415] : memref<102400xf32, #tpu.memory_space<vmem>>[vector<16xi32>], vector<16xf32>,
      %parallel_loop3A_419 = arith.addf %parallel_loop3A_403, %parallel_loop3A_418 : vector<16xf32>
      %parallel_loop3A_420 = arith.addf %parallel_loop3A_417, %parallel_loop3A_419 : vector<16xf32>
      %parallel_loop3A_421 = arith.constant 16 : i32
      %parallel_loop3A_422 = arith.muli %parallel_loop3A_15, %parallel_loop3A_421 : i32
      %parallel_loop3A_423 = arith.index_cast %parallel_loop3A_422 : i32 to index
      %parallel_loop3A_424 = tpu.vector_load %arg8[%parallel_loop3A_423] {strides = array<i32>} : memref<256xf32, #tpu.memory_space<vmem>>, vector<16xf32>,
      tpu.vector_store %arg8[%parallel_loop3A_423], %parallel_loop3A_420 {strides = array<i32>} : memref<256xf32, #tpu.memory_space<vmem>>, vector<16xf32>,
    } {sc.loop_unroll_factor = 1 : i64, sc.parallel_access}
    %mul3A_13 = arith.constant 256 : i32
    %mul3A_14 = arith.muli %arg1, %mul3A_13 : i32
    "tpu.region"() ({
      %run_scoped3A = tpu.sem_alloc : memref<!tpu.dma_semaphore, #tpu.memory_space<semaphore_mem>>
      %dma_start3A_15 = tpu.memref_slice %arg4[%arg0, %mul3A_14] : memref<2x4096xf32, #tpu.memory_space<hbm>> -> memref<1x256xf32, #tpu.memory_space<hbm>>
      %dma_start3A_16 = tpu.memref_squeeze %dma_start3A_15 : memref<1x256xf32, #tpu.memory_space<hbm>> -> memref<256xf32, #tpu.memory_space<hbm>>
      %dma_start3A_17 = tpu.memref_slice %arg4[%arg0, %mul3A_14] : memref<2x4096xf32, #tpu.memory_space<hbm>> -> memref<1x256xf32, #tpu.memory_space<hbm>>
      %dma_start3A_18 = tpu.memref_squeeze %dma_start3A_17 : memref<1x256xf32, #tpu.memory_space<hbm>> -> memref<256xf32, #tpu.memory_space<hbm>>
      tpu.enqueue_dma source(%arg8 : memref<256xf32, #tpu.memory_space<vmem>>) target(%dma_start3A_18 : memref<256xf32, #tpu.memory_space<hbm>>) target_semaphore(%run_scoped3A : memref<!tpu.dma_semaphore, #tpu.memory_space<semaphore_mem>>)
      %dma_wait3A_19 = tpu.memref_slice %arg4[%arg0, %mul3A_14] : memref<2x4096xf32, #tpu.memory_space<hbm>> -> memref<1x256xf32, #tpu.memory_space<hbm>>
      %dma_wait3A_20 = tpu.memref_squeeze %dma_wait3A_19 : memref<1x256xf32, #tpu.memory_space<hbm>> -> memref<256xf32, #tpu.memory_space<hbm>>
      %dma_wait3A_21 = tpu.memref_slice %arg4[%arg0, %mul3A_14] : memref<2x4096xf32, #tpu.memory_space<hbm>> -> memref<1x256xf32, #tpu.memory_space<hbm>>
      %dma_wait3A_22 = tpu.memref_squeeze %dma_wait3A_21 : memref<1x256xf32, #tpu.memory_space<hbm>> -> memref<256xf32, #tpu.memory_space<hbm>>
      tpu.wait_dma2 semaphore(%run_scoped3A : memref<!tpu.dma_semaphore, #tpu.memory_space<semaphore_mem>>) src(%arg8 : memref<256xf32, #tpu.memory_space<vmem>>) dst(%dma_wait3A_22 : memref<256xf32, #tpu.memory_space<hbm>>)
      tpu.yield
    }) : () -> ()
    return
  }
}

module attributes {stable_mosaic.version = 14 : i64} {
  func.func @_project_body(%arg0: i32, %arg1: memref<2xf32, #tpu.memory_space<smem>>, %arg2: memref<64x25600xf32, #tpu.memory_space<vmem>>, %arg3: memref<2x64xf32, #tpu.memory_space<vmem>>, %arg4: memref<2x25600xf32, #tpu.memory_space<vmem>>) attributes {dimension_semantics = [#tpu.dimension_semantics<arbitrary>], iteration_bounds = array<i64: 4>, scalar_prefetch = 0 : i64, scratch_operands = 0 : i64, tpu.core_type = #tpu.core_type<tc>, window_params = [{transform_indices = @transform_0, window_bounds = array<i64: 2>}, {transform_indices = @transform_1, window_bounds = array<i64: 64, 25600>}, {pipeline_mode = #tpu.pipeline_mode<synchronous>, transform_indices = @transform_2, window_bounds = array<i64: 2, 64>}, {transform_indices = @transform_3, window_bounds = array<i64: 2, 25600>}]} {
    %iota3A = tpu.iota {dimensions = array<i32: 0>} : vector<2x1xi32>
    %eq3A = arith.constant 0 : i32
    %eq3A_0 = vector.broadcast %eq3A : i32 to vector<2x1xi32>
    %eq3A_1 = arith.cmpi eq, %iota3A, %eq3A_0 : vector<2x1xi32>
    %get3A = arith.constant 0 : index
    %get3A_2 = memref.load %arg1[%get3A] : memref<2xf32, #tpu.memory_space<smem>>
    %get3A_3 = arith.constant 1 : index
    %get3A_4 = memref.load %arg1[%get3A_3] : memref<2xf32, #tpu.memory_space<smem>>
    %broadcast_in_dim3A = vector.broadcast %get3A_2 : f32 to vector<2x1xf32>
    %broadcast_in_dim3A_5 = vector.broadcast %get3A_4 : f32 to vector<2x1xf32>
    %select_n3A = arith.select %eq3A_1, %broadcast_in_dim3A, %broadcast_in_dim3A_5 : vector<2x1xi1>, vector<2x1xf32>
    %get3A_6 = arith.constant 0 : index
    %get3A_7 = arith.constant 0 : index
    %get3A_8 = vector.load %arg3[%get3A_6, %get3A_7] : memref<2x64xf32, #tpu.memory_space<vmem>>, vector<2x64xf32>
    %get3A_9 = arith.constant 0 : index
    %get3A_10 = arith.constant 0 : index
    %get3A_11 = vector.load %arg2[%get3A_9, %get3A_10] : memref<64x25600xf32, #tpu.memory_space<vmem>>, vector<64x25600xf32>
    %dot_general3A = arith.constant dense<0.000000e+00> : vector<2x25600xf32>
    %dot_general3A_12 = tpu.matmul %get3A_8, %get3A_11, %dot_general3A {dimension_numbers = #tpu.dot_dimension_numbers<[1], [0], [0], [1], [0, 0, 1, 1], [], []>, transpose_lhs_hint = false} : vector<2x64xf32>, vector<64x25600xf32>, vector<2x25600xf32> -> vector<2x25600xf32>
    %add3A = vector.broadcast %select_n3A : vector<2x1xf32> to vector<2x25600xf32>
    %add3A_13 = arith.addf %dot_general3A_12, %add3A : vector<2x25600xf32>
    %mul3A = arith.constant 2.000000e-02 : f32
    %mul3A_14 = vector.broadcast %mul3A : f32 to vector<2x25600xf32>
    %mul3A_15 = arith.mulf %add3A_13, %mul3A_14 : vector<2x25600xf32>
    %swap3A = arith.constant 0 : index
    %swap3A_16 = arith.constant 0 : index
    %swap3A_17 = vector.load %arg4[%swap3A, %swap3A_16] : memref<2x25600xf32, #tpu.memory_space<vmem>>, vector<2x25600xf32>
    tpu.vector_store %arg4[%swap3A, %swap3A_16], %mul3A_15 {strides = array<i32>} : memref<2x25600xf32, #tpu.memory_space<vmem>>, vector<2x25600xf32>,
    return
  }
  func.func @transform_0(%arg0: i32) -> i32 {
    %c0_i32 = arith.constant 0 : i32
    %c0_i32_0 = arith.constant 0 : i32
    return %c0_i32 : i32
  }
  func.func @transform_1(%arg0: i32) -> (i32, i32) {
    %c0_i32 = arith.constant 0 : i32
    %c0_i32_0 = arith.constant 0 : i32
    return %c0_i32, %arg0 : i32, i32
  }
  func.func @transform_2(%arg0: i32) -> (i32, i32) {
    %c0_i32 = arith.constant 0 : i32
    %c0_i32_0 = arith.constant 0 : i32
    %c0_i32_1 = arith.constant 0 : i32
    return %c0_i32, %c0_i32_0 : i32, i32
  }
  func.func @transform_3(%arg0: i32) -> (i32, i32) {
    %c0_i32 = arith.constant 0 : i32
    %c0_i32_0 = arith.constant 0 : i32
    return %c0_i32, %arg0 : i32, i32
  }
}

</mosaic_0001>

<sc_bundles>
// kernel: kernel.4.cloned.1.call-start
scs
__scs_entry_jumppad:
0x0: {  	(pc) =	sbr.rel $0x88, $3  }
0x1: {  	(tag) =	ssettag $0x0;
	lr =	simm.s32 $0x1  }
0x2: {  	[smem:$0x3F9D] =	sst lr;
	_ =	strace $0xD0000000  }
0x3: {  	_ = 	snop  }
0x4: {  	_ = 	snop  }
0x5: {  	_ = 	snop  }
0x6: {  	_ = 	snop  }
0x7: {  	_ = 	snop  }
__scs_overlays_trampoline_lowered:
0x8: {  	[smem:$0x3FAC] =	sst s0  }
0x9: {  	[smem:$0x3FAD] =	sst s1  }
0xa: {  	[smem:$0x3FAE] =	sst s2  }
0xb: {  	[smem:$0x3FAF] =	sst s3  }
0xc: {  	[smem:$0x3FB0] =	sst s4  }
0xd: {  	[smem:$0x3FB1] =	sst s5  }
0xe: {  	[smem:$0x3FB2] =	sst s6  }
0xf: {  	[smem:$0x3FB3] =	sst s7  }
0x10: {  	[smem:$0x3FB4] =	sst s8  }
0x11: {  	[smem:$0x3FB5] =	sst s9;
	s0 =	simm.s32 @!p0 $0x0  }
0x12: {  	s1 =	sld [smem:$0x3F9B];
	s0 =	simm.s32 @p0 $0x1  }
0x13: {  	[smem:$0x3FB6] =	sst s0;
	s0 =	simm.s32 @!p1 $0x0  }
0x14: {  	s2 =	sld [smem:$0x3F9A];
	s0 =	simm.s32 @p1 $0x1  }
0x15: {  	[smem:$0x3FB7] =	sst s0;
	s0 =	simm.s32 @!p2 $0x0  }
0x16: {  	s3 =	sld [smem:$0x3FDB];
	s0 =	simm.s32 @p2 $0x1  }
0x17: {  	s4 =	simm.s32 $0x1BF5;
	[smem:$0x3FB9] =	sst s0  }
0x18: {  	s0 =	sld [smem:$0x3F9C];
	_ =	swait.ge [sflag:s4], $0x0  }
0x19: {  	s7 =	sld [smem:$0x3F9D]  }
0x1a: {  	s8 =	sadd.s32 $0xFFFFE003, lr  }
0x1b: {  	s9 =	sadd.s32 $0xFFFFFEF7, lr;
	s5 =	simm.s32 $0xFFFFFFFF;
	p2 =	slt.u32 s8, $0xFFFFF086  }
0x1c: {  	p1 =	slt.u32 s9, $0xF7A;
	s5 =	simm.s32 @!p2 $0x0  }
0x1d: {  	s5 =	simm.s32 @p1 $0x1;
	p0 =	seq.s32 s7, s2  }
0x1e: {  	s7 =	smul.u32 @!p0 $0xF7A, s2;
	p2 =	seq.s32 @!p0 s5, $0x0  }
0x1f: {  	s9 =	smul.u32 $0xF7A, s1;
	s8 =	simm.s32 @!p0 $0x1BF5;
	p2 =	por !p2, p0  }
0x20: {  	[sflag:s8] =	ssyncset.s32 @!p0 $0xFFFFF086;
	s6 =	sadd.s32 @!p0 s3, s7;
	s7 =	simm.s32 @!p0 $0x108  }
0x21: {  	s3 =	sadd.s32 s3, s9;
	s6 =	sadd.s32 @!p0 $0x88, s6;
	s7 =	simm.s32 @p2 $0x1082  }
0x22: {  	[simem:s7], [sflag:s8] =	dma.local @!p0 [hbm:s6], $0xF7A  }
0x23: {  	s9 =	sor.u32 $0xD0000000, s2;
	s6 =	simm.s32 $0x108;
	_ =	swait.ge @!p0 [sflag:s8], $0x0  }
0x24: {  	s3 =	sadd.s32 $0x88, s3;
	s6 =	simm.s32 @!p1 $0x1082;
	[sflag:s4] =	ssyncset.s32 $0xFFFFF086  }
0x25: {  	[simem:s6], [sflag:s4] =	dma.local [hbm:s3], $0xF7A  }
0x26: {  	[smem:$0x3F9D] =	sst s1;
	(tag) =	ssettag s2;
	_ =	strace s9  }
0x27: {  	s1 =	sld [smem:$0x3FAD]  }
0x28: {  	s2 =	sld [smem:$0x3FAE]  }
0x29: {  	s4 =	sld [smem:$0x3FB0]  }
0x2a: {  	p0 =	seq.s32 s5, $0x0;
	s5 =	sld [smem:$0x3FB1]  }
0x2b: {  	s6 =	sld [smem:$0x3FB2]  }
0x2c: {  	s7 =	sld [smem:$0x3FB3]  }
0x2d: {  	s3 =	simm.s32 $0x108;
	s8 =	sld [smem:$0x3FB4]  }
0x2e: {  	s3 =	simm.s32 @!p0 $0x1082;
	s9 =	sld [smem:$0x3FB5]  }
0x2f: {  	lr =	sadd.s32 s0, s3;
	s0 =	sld [smem:$0x3FAC]  }
0x30: {  	s3 =	sld [smem:$0x3FAF]  }
0x31: {  	[smem:$0x3FB8] =	sst s10  }
0x32: {  	s10 =	sld [smem:$0x3FB6];
	_ =	sdelay $0x3  }
0x33: {  	p0 =	seq.s32 s10, $0x1;
	s10 =	sld [smem:$0x3FB8];
	_ =	sdelay $0x3  }
0x34: {  	[smem:$0x3FB8] =	sst s10  }
0x35: {  	s10 =	sld [smem:$0x3FB7];
	_ =	sdelay $0x3  }
0x36: {  	p1 =	seq.s32 s10, $0x1;
	s10 =	sld [smem:$0x3FB8];
	_ =	sdelay $0x3  }
0x37: {  	[smem:$0x3FB8] =	sst s10  }
0x38: {  	s10 =	sld [smem:$0x3FB9]  }
0x39: {  	_ = 	snop;
	(pc) =	sbr.ind lr, $3  }
0x3a: {  	_ = 	snop  }
0x3b: {  	_ = 	snop  }
0x3c: {  	p2 =	seq.s32 s10, $0x1;
	s10 =	sld [smem:$0x3FB8]  }
0x3d: {  	_ =	shalt  }
0x3e: {  	_ =	shalt  }
0x3f: {  	_ =	shalt  }
0x40: {  	_ =	shalt  }
0x41: {  	_ =	shalt  }
0x42: {  	_ =	shalt  }
0x43: {  	_ =	shalt  }
0x44: {  	_ =	shalt  }
0x45: {  	_ =	shalt  }
0x46: {  	_ =	shalt  }
0x47: {  	_ =	shalt  }
0x48: {  	_ =	shalt  }
0x49: {  	_ =	shalt  }
0x4a: {  	_ =	shalt  }
0x4b: {  	_ =	shalt  }
0x4c: {  	_ =	shalt  }
0x4d: {  	_ =	shalt  }
0x4e: {  	_ =	shalt  }
0x4f: {  	_ =	shalt  }
0x50: {  	_ =	shalt  }
0x51: {  	_ =	shalt  }
0x52: {  	_ =	shalt  }
0x53: {  	_ =	shalt  }
0x54: {  	_ =	shalt  }
0x55: {  	_ =	shalt  }
0x56: {  	_ =	shalt  }
0x57: {  	_ =	shalt  }
0x58: {  	_ =	shalt  }
0x59: {  	_ =	shalt  }
0x5a: {  	_ =	shalt  }
0x5b: {  	_ =	shalt  }
0x5c: {  	_ =	shalt  }
0x5d: {  	_ =	shalt  }
0x5e: {  	_ =	shalt  }
0x5f: {  	_ =	shalt  }
0x60: {  	_ =	shalt  }
0x61: {  	_ =	shalt  }
0x62: {  	_ =	shalt  }
0x63: {  	_ =	shalt  }
0x64: {  	_ =	shalt  }
0x65: {  	_ =	shalt  }
0x66: {  	_ =	shalt  }
0x67: {  	_ =	shalt  }
0x68: {  	_ =	shalt  }
0x69: {  	_ =	shalt  }
0x6a: {  	_ =	shalt  }
0x6b: {  	_ =	shalt  }
0x6c: {  	_ =	shalt  }
0x6d: {  	_ =	shalt  }
0x6e: {  	_ =	shalt  }
0x6f: {  	_ =	shalt  }
0x70: {  	_ =	shalt  }
0x71: {  	_ =	shalt  }
0x72: {  	_ =	shalt  }
0x73: {  	_ =	shalt  }
0x74: {  	_ =	shalt  }
0x75: {  	_ =	shalt  }
0x76: {  	_ =	shalt  }
0x77: {  	_ =	shalt  }
0x78: {  	_ =	shalt  }
0x79: {  	_ =	shalt  }
0x7a: {  	_ =	shalt  }
0x7b: {  	_ =	shalt  }
0x7c: {  	_ =	shalt  }
0x7d: {  	_ =	shalt  }
0x7e: {  	_ =	shalt  }
0x7f: {  	_ =	shalt  }
0x80: {  	_ =	shalt  }
0x81: {  	_ =	shalt  }
0x82: {  	_ =	shalt  }
0x83: {  	_ =	shalt  }
0x84: {  	_ =	shalt  }
0x85: {  	_ =	shalt  }
0x86: {  	_ =	shalt  }
0x87: {  	_ =	shalt  }
.Lfunc_end0:
.L_simem_size_0:
called_computation_lowered:
.L_overlay_start_0:
0x88: {  	s2 =	sld [smem:$0x3FD9]  }
0x89: {  	s3 =	sld [smem:$0x3FFE];
	_ =	sdelay $0x1  }
0x8a: {  	s1 =	srdreg.scid  }
0x8b: {  	s0 =	sand.u32 $0x1, s1  }
0x8c: {  	s17 =	sshll.u32 s0, $0xA;
	s2 =	sadd.s32 s3, s2  }
0x8d: {  	s2 =	sadd.s32 s2, s17  }
0x8e: {  	[smem:$0x3FC4] =	sst s2  }
0x8f: {  	_ = 	snop  }
0x90: {  	s2 =	sld [smem:$0x3FC9]  }
0x91: {  	s18 =	sld [smem:$0x3FD0];
	(tm) =	ssettm $0x1  }
0x92: {  	s4 =	sld [smem:$0x3FFB];
	_ =	sdelay $0x3  }
0x93: {  	_ =	strace s4  }
0x94: {  	s4 =	sld [smem:$0x3FFC];
	_ =	sdelay $0x3  }
0x95: {  	_ =	strace s4  }
0x96: {  	s4 =	sld [smem:$0x3FFD];
	_ =	sdelay $0x3  }
0x97: {  	_ =	strace s4  }
0x98: {  	_ =	strace $0x8FFFFFFF  }
0x99: {  	s19 =	sld [smem:$0x3FDB];
	_ =	sdelay $0x1  }
0x9a: {  	s5 =	simm.s32 $_scs_section_size  }
0x9b: {  	s6 =	simm.s32 $_size__tile_overlayer_lowered;
	s7 =	simm.s32 $_tile_overlayer_lowered  }
0x9c: {  	s22 =	simm.s32 $0x1BFF;
	s21 =	sshll.u32 s7, $0x1;
	s4 =	sadd.s32 s5, s19  }
0x9d: {  	s8 =	simm.s32 $0x0;
	s20 =	sshll.u32 s6, $0x1;
	s6 =	sadd.s32 s21, s4  }
0x9e: {  	[timem:s8], [sflag:s22] =	dma.local [hbm:s6], s20  }
0x9f: {  	_ =	swait.ge [sflag:s22], s20  }
0xa0: {  	s5 =	ssub.s32 $0x0, s20;
	[sflag:s22] =	ssyncset.done $0x0  }
0xa1: {  	[sflag:s22] =	ssyncadd.s32 s5;
	_ =	sdelay $0x1  }
0xa2: {  	s23 =	simm.s32 $0x1B8B  }
0xa3: {  	_ =	swait.ge [sflag:s23], $0x1  }
0xa4: {  	[sflag:s23] =	ssyncset.done $0x0  }
0xa5: {  	s25 =	simm.s32 $0x1B8E;
	s24 =	sld [smem:$0x3FFE];
	[sflag:s23] =	ssyncadd.s32 $0xFFFFFFFF  }
0xa6: {  	s26 =	simm.s32 $execute0_lowered;
	[smem:$0x3FD2] =	sst s25  }
0xa7: {  	s6 =	sshll.u32 s26, $0x1;
	_ =	strace $0x80000046;
	[dreg:$0x1] =	wrdreg $0xFFFFFFFF  }
0xa8: {  	s28 =	simm.s32 $_size_execute0_lowered;
	s4 =	sadd.s32 s4, s6;
	[dreg:$0x0] =	wrdreg $0x0  }
0xa9: {  	s6 =	sshll.u32 s28, $0x1;
	[dreg:$0x2] =	wrdreg s4  }
0xaa: {  	[dreg:$0x3] =	wrdreg s6  }
0xab: {  	[dreg:$0x4] =	wrdreg $0xC0  }
0xac: {  	_ =	task [dreg:s8], $0x5FFFF  }
0xad: {  	[dreg:$0x1] =	wrdreg $0xFFFFFFFF  }
0xae: {  	[dreg:$0x0] =	wrdreg $0x60  }
0xaf: {  	[dreg:$0x2] =	wrdreg s24  }
0xb0: {  	[dreg:$0x3] =	wrdreg s2  }
0xb1: {  	[dreg:$0x4] =	wrdreg s18  }
0xb2: {  	[dreg:$0x5] =	wrdreg $0x0  }
0xb3: {  	[dreg:$0x6] =	wrdreg $0x9  }
0xb4: {  	_ =	task.clear_ibuf [dreg:s8], $0x7FFFF;
	_ =	strace $0x90000046  }
0xb5: {  	s29 =	simm.s32 $0x9;
	_ =	strace $0x80000048  }
0xb6: {  	_ =	swait.ge [sflag:s29], $0x1  }
0xb7: {  	[sflag:s29] =	ssyncadd.s32 $0xFFFFFFFF  }
0xb8: {  	_ =	strace $0x90000048  }
0xb9: {  	_ =	sfence  }
0xba: {  	s30 =	sld [smem:$0x0];
	_ =	sdelay $0x2  }
0xbb: {  	s31 =	sshll.u32 s1, $0xD;
	s1 =	sshrl.u32 s1, $0x2  }
0xbc: {  	s3 =	sand.u32 $0x4000, s31;
	s1 =	sadd.s32 s1, s30  }
0xbd: {  	s0 =	sor.u32 s3, s0;
	s1 =	sshll.u32 s1, $0x11  }
0xbe: {  	s0 =	sor.u32 s1, s0  }
0xbf: {  	s0 =	sadd.s32 $0x8F2B, s0  }
0xc0: {  	[sflag:s0] =	ssyncadd.remote.s32 $0x1  }
0xc1: {  	_ =	sfence.sel $0xFFFF  }
0xc2: {  	[dreg:$0x0] =	wrdreg $0xFFFFFFFF;
	(pc) =	sbr.abs _section_cstart, $3  }
0xc3: {  	[dreg:$0x1] =	wrdreg $0xFFFFFFFF  }
0xc4: {  	_ =	task.clear_ibuf [dreg:s8], $0x2FFFF;
	_ =	strace $0x9FFFFFFF  }
0xc5: {  	(tm) =	ssettm $0x7FFFFFFF  }
tec
execute0_lowered:
.L_overlay_start_1:
0x0: {  	(tag) =	ssettag $0x1  }
0x1: {  	s4 =	rddreg [dreg:$0x0]  }
0x2: {  	s5 =	rddreg [dreg:$0x1]  }
0x3: {  	s7 =	rddreg [dreg:$0x2]  }
0x4: {  	s2 =	rddreg [dreg:$0x3]  }
0x5: {  	s0 =	rddreg [dreg:$0x4];
	s6 =	srdreg.scid  }
0x6: {  	s1 =	stileid.u32;
	s3 =	simm.s32 $0x0;
	s13 =	simm.s32 $0x1  }
0x7: {  	s14 =	simm.s32 $0x10;
	s15 =	simm.s32 $0x20;
	s16 =	simm.s32 $0x2  }
0x8: {  	s17 =	simm.s32 $0x1900;
	s18 =	simm.s32 $0x80;
	s19 =	simm.s32 $0x100  }
0x9: {  	s20 =	simm.s32 $0x1E100;
	s21 =	simm.s32 $0x0;
	s8 =	smul.u32 $0x3200, s1  }
0xa: {  	s6 =	sand.u32 $0x1, s6;
	[smem:$0x7FF] =	sst s3;
	s11 =	smul.u32 $0x6400, s1  }
0xb: {  	s26 =	sshll.u32 s1, $0x8;
	s28 =	sshll.u32 s1, $0x9;
	s30 =	sshll.u32 s1, $0x6  }
0xc: {  	s9 =	sshll.u32 s6, $0x7;
	_ =	strace $0x80000047;
	s6 =	ssub.s32 $0x2, s6  }
0xd: {  	s8 =	sor.u32 s9, s8;
	s10 =	sshrl.u32 s6, $0x1;
	s29 =	sshrl.u32 s11, $0x2  }
0xe: {  	s9 =	sor.u32 s9, s28;
	s11 =	simm.s32 $0x1A900;
	s8 =	sshrl.u32 s8, $0x3  }
0xf: {  	s10 =	ssub.s32 s6, s10;
	s12 =	sadd.s32 s29, s2;
	s6 =	sor.u32 $0x1C02, s30  }
0x10: {  	s31 =	sshrl.u32 s9, $0x3;
	s9 =	simm.s32 $0x800;
	s8 =	sadd.s32 s8, s4  }
0x11: {  	s4 =	sadd.s32 s5, s26;
	s7 =	sadd.s32 s7, s31;
	s12 =	sshrl.u32 s12, $0x3  }
0x12: {  	s5 =	sadd.s32 $0xA00, s8;
	s8 =	smax.u32 s10, $0x1;
	s10 =	simm.s32 $0x8000  }
.LBB2_1:
0x13: {  	[tilespmem:s11], [sflag:$0x1] =	stream.strided.gather [hbm4b:s4+s9], $0x3800, s10, s9, $0x38;
	[tilespmem:$0x1E200] =	vst v63  }
0x14: {  	[spmem:s12@s14], [sflag:s6] =	dma.strided [hbm:s5@s15], $0x320, s13, $0x10   }
0x15: {  	_ =	swait.ge [sflag:s16], $0x320  }
0x16: {  	[sflag:s16] =	ssyncset.done $0x0  }
0x17: {  	[sflag:s16] =	ssyncadd.s32 $0xFFFFFCE0  }
0x18: {  	[bflag:$0x0] =	sbarrier.arrive $0xFFFF  }
0x19: {  	[tilespmem:s17], [sflag:$0x2] =	stream.linear.gather [spmem:s2], $0x19000, $0x38;
	[tilespmem:$0x1E200] =	vst v63  }
0x1a: {  	_ =	swait.ge [sflag:s16], $0x19000  }
0x1b: {  	[sflag:s16] =	ssyncset.done $0x0  }
0x1c: {  	[sflag:s16] =	ssyncadd.s32 $0xFFFE7000  }
0x1d: {  	_ =	swait.ge [sflag:s13], $0x3800  }
0x1e: {  	s22 =	sand.u32 $0x70, s3;
	s23 =	sand.u32 $0x400, s3;
	[sflag:s13] =	ssyncset.done $0x0  }
0x1f: {  	s22 =	sor.u32 s22, s23;
	[sflag:s13] =	ssyncadd.s32 $0xFFFFC800  }
0x20: {  	v0 =	vld [tilespmem:s22+$0x1D900]  }
0x21: {  	v1 =	vld [tilespmem:s22+$0x1D980]  }
0x22: {  	v2 =	vld [tilespmem:s22+$0x1D400]  }
0x23: {  	v3 =	vld [tilespmem:s22+$0x1D480]  }
0x24: {  	v4 =	vld [tilespmem:s22+$0x1D300]  }
0x25: {  	v5 =	vld [tilespmem:s22+$0x1D380]  }
0x26: {  	v6 =	vld [tilespmem:s22+$0x1D200]  }
0x27: {  	v7 =	vld [tilespmem:s22+$0x1D280]  }
0x28: {  	v8 =	vld [tilespmem:s22+$0x1D100]  }
0x29: {  	v9 =	vld [tilespmem:s22+$0x1D180]  }
0x2a: {  	v10 =	vld [tilespmem:s22+$0x1CC00]  }
0x2b: {  	v11 =	vld [tilespmem:s22+$0x1CC80]  }
0x2c: {  	v12 =	vld [tilespmem:s22+$0x1CB00]  }
0x2d: {  	v13 =	vld [tilespmem:s22+$0x1CB80]  }
0x2e: {  	v14 =	vld [tilespmem:s22+$0x1CA00]  }
0x2f: {  	v15 =	vld [tilespmem:s22+$0x1CA80]  }
0x30: {  	v16 =	vld [tilespmem:s22+$0x1C900]  }
0x31: {  	v17 =	vld [tilespmem:s22+$0x1C980]  }
0x32: {  	v18 =	vld [tilespmem:s22+$0x1C400]  }
0x33: {  	v19 =	vld [tilespmem:s22+$0x1C480]  }
0x34: {  	v20 =	vld [tilespmem:s22+$0x1C300]  }
0x35: {  	v21 =	vld [tilespmem:s22+$0x1C380]  }
0x36: {  	v22 =	vld [tilespmem:s22+$0x1C200]  }
0x37: {  	v23 =	vld [tilespmem:s22+$0x1C280]  }
0x38: {  	v24 =	vld [tilespmem:s22+$0x1C100]  }
0x39: {  	v25 =	vld [tilespmem:s22+$0x1C180]  }
0x3a: {  	v26 =	vld [tilespmem:s22+$0x1BC00]  }
0x3b: {  	v27 =	vld [tilespmem:s22+$0x1BC80]  }
0x3c: {  	v28 =	vld [tilespmem:s22+$0x1BB00]  }
0x3d: {  	v29 =	vld [tilespmem:s22+$0x1BB80]  }
0x3e: {  	v30 =	vld [tilespmem:s22+$0x1BA00]  }
0x3f: {  	v31 =	vld [tilespmem:s22+$0x1BA80]  }
0x40: {  	v32 =	vld [tilespmem:s22+$0x1B900]  }
0x41: {  	v33 =	vld [tilespmem:s22+$0x1B980]  }
0x42: {  	v34 =	vld [tilespmem:s22+$0x1B400]  }
0x43: {  	v35 =	vld [tilespmem:s22+$0x1B480]  }
0x44: {  	v36 =	vld [tilespmem:s22+$0x1B300]  }
0x45: {  	v37 =	vld [tilespmem:s22+$0x1B380]  }
0x46: {  	v38 =	vld [tilespmem:s22+$0x1B200]  }
0x47: {  	v39 =	vld [tilespmem:s22+$0x1B280]  }
0x48: {  	v40 =	vld [tilespmem:s22+$0x1B100]  }
0x49: {  	v41 =	vld [tilespmem:s22+$0x1B180]  }
0x4a: {  	v42 =	vld [tilespmem:s22+$0x1A900]  }
0x4b: {  	v43 =	vld [tilespmem:s22+$0x1A980]  }
0x4c: {  	v44 =	vld [tilespmem:s22+$0x1AA00]  }
0x4d: {  	v45 =	vld [tilespmem:s22+$0x1AA80]  }
0x4e: {  	v46 =	vld [tilespmem:s22+$0x1AB00]  }
0x4f: {  	v47 =	vld [tilespmem:s22+$0x1AB80]  }
0x50: {  	v48 =	vld [tilespmem:s22+$0x1AC00]  }
0x51: {  	v49 =	vld [tilespmem:s22+$0x1AC80]  }
0x52: {  	v42 =	vld.idx.msk [tilespmem:v42+s17+$0x0], $0xffff  }
0x53: {  	v43 =	vld.idx.msk [tilespmem:v43+s17+$0x0], $0xffff  }
0x54: {  	v44 =	vld.idx.msk [tilespmem:v44+s17+$0x0], $0xffff  }
0x55: {  	v45 =	vld.idx.msk [tilespmem:v45+s17+$0x0], $0xffff  }
0x56: {  	v46 =	vld.idx.msk [tilespmem:v46+s17+$0x0], $0xffff  }
0x57: {  	v47 =	vld.idx.msk [tilespmem:v47+s17+$0x0], $0xffff  }
0x58: {  	v48 =	vld.idx.msk [tilespmem:v48+s17+$0x0], $0xffff  }
0x59: {  	v49 =	vld.idx.msk [tilespmem:v49+s17+$0x0], $0xffff  }
0x5a: {  	v40 =	vld.idx.msk [tilespmem:v40+s17+$0x0], $0xffff  }
0x5b: {  	v41 =	vld.idx.msk [tilespmem:v41+s17+$0x0], $0xffff  }
0x5c: {  	v38 =	vld.idx.msk [tilespmem:v38+s17+$0x0], $0xffff  }
0x5d: {  	v39 =	vld.idx.msk [tilespmem:v39+s17+$0x0], $0xffff  }
0x5e: {  	v36 =	vld.idx.msk [tilespmem:v36+s17+$0x0], $0xffff  }
0x5f: {  	v37 =	vld.idx.msk [tilespmem:v37+s17+$0x0], $0xffff  }
0x60: {  	v34 =	vld.idx.msk [tilespmem:v34+s17+$0x0], $0xffff  }
0x61: {  	v35 =	vld.idx.msk [tilespmem:v35+s17+$0x0], $0xffff  }
0x62: {  	v32 =	vld.idx.msk [tilespmem:v32+s17+$0x0], $0xffff  }
0x63: {  	v33 =	vld.idx.msk [tilespmem:v33+s17+$0x0], $0xffff  }
0x64: {  	v30 =	vld.idx.msk [tilespmem:v30+s17+$0x0], $0xffff  }
0x65: {  	v31 =	vld.idx.msk [tilespmem:v31+s17+$0x0], $0xffff  }
0x66: {  	v28 =	vld.idx.msk [tilespmem:v28+s17+$0x0], $0xffff  }
0x67: {  	v29 =	vld.idx.msk [tilespmem:v29+s17+$0x0], $0xffff  }
0x68: {  	v26 =	vld.idx.msk [tilespmem:v26+s17+$0x0], $0xffff  }
0x69: {  	v27 =	vld.idx.msk [tilespmem:v27+s17+$0x0], $0xffff  }
0x6a: {  	v24 =	vld.idx.msk [tilespmem:v24+s17+$0x0], $0xffff  }
0x6b: {  	v25 =	vld.idx.msk [tilespmem:v25+s17+$0x0], $0xffff  }
0x6c: {  	v22 =	vld.idx.msk [tilespmem:v22+s17+$0x0], $0xffff  }
0x6d: {  	v23 =	vld.idx.msk [tilespmem:v23+s17+$0x0], $0xffff  }
0x6e: {  	v20 =	vld.idx.msk [tilespmem:v20+s17+$0x0], $0xffff  }
0x6f: {  	v21 =	vld.idx.msk [tilespmem:v21+s17+$0x0], $0xffff  }
0x70: {  	v18 =	vld.idx.msk [tilespmem:v18+s17+$0x0], $0xffff  }
0x71: {  	v50 =	vld.idx.msk [tilespmem:v19+s17+$0x0], $0xffff  }
0x72: {  	v51 =	vld.idx.msk [tilespmem:v16+s17+$0x0], $0xffff  }
0x73: {  	v52 =	vld.idx.msk [tilespmem:v17+s17+$0x0], $0xffff  }
0x74: {  	v53 =	vld.idx.msk [tilespmem:v14+s17+$0x0], $0xffff  }
0x75: {  	v54 =	vld.idx.msk [tilespmem:v15+s17+$0x0], $0xffff  }
0x76: {  	v55 =	vld.idx.msk [tilespmem:v12+s17+$0x0], $0xffff  }
0x77: {  	v56 =	vld.idx.msk [tilespmem:v13+s17+$0x0], $0xffff  }
0x78: {  	v57 =	vld.idx.msk [tilespmem:v10+s17+$0x0], $0xffff  }
0x79: {  	v59 =	vld.idx.msk [tilespmem:v8+s17+$0x0], $0xffff;
	v10 =	vadd.f32 $0.0e+00, v42;
	v12 =	vadd.f32 $0.0e+00, v43  }
0x7a: {  	v60 =	vld.idx.msk [tilespmem:v7+s17+$0x0], $0xffff  }
0x7b: {  	v61 =	vld.idx.msk [tilespmem:v4+s17+$0x0], $0xffff;
	v8 =	vadd.f32 v44, v10;
	v10 =	vadd.f32 v45, v12  }
0x7c: {  	v62 =	vld.idx.msk [tilespmem:v3+s17+$0x0], $0xffff  }
0x7d: {  	s31 =	simm.s32 $0x10;
	s23 =	simm.s32 $0x80;
	v45 =	vld.idx.msk [tilespmem:v6+s17+$0x0], $0xffff;
	v6 =	vadd.f32 v46, v8;
	v8 =	vadd.f32 v47, v10  }
0x7e: {  	s24 =	sand.u32 $0x400, s23;
	s22 =	sand.u32 $0x70, s31;
	v63 =	vld.idx.msk [tilespmem:v0+s17+$0x0], $0xffff  }
0x7f: {  	s25 =	sor.u32 s22, s24;
	v58 =	vld.idx.msk [tilespmem:v1+s17+$0x0], $0xffff;
	v4 =	vadd.f32 v48, v6;
	v6 =	vadd.f32 v49, v8  }
0x80: {  	v1 =	vld [tilespmem:s25+$0x1D900]  }
0x81: {  	v49 =	vld.idx.msk [tilespmem:v2+s17+$0x0], $0xffff;
	v2 =	vadd.f32 v40, v4;
	v4 =	vadd.f32 v41, v6  }
0x82: {  	v3 =	vld [tilespmem:s25+$0x1D400]  }
0x83: {  	v7 =	vld [tilespmem:s25+$0x1D200];
	v0 =	vadd.f32 v38, v2;
	v2 =	vadd.f32 v39, v4  }
0x84: {  	v13 =	vld [tilespmem:s25+$0x1CB00]  }
0x85: {  	v15 =	vld [tilespmem:s25+$0x1CA00];
	v4 =	vadd.f32 v36, v0;
	v2 =	vadd.f32 v37, v2  }
0x86: {  	v17 =	vld [tilespmem:s25+$0x1C900]  }
0x87: {  	v42 =	vld.idx.msk [tilespmem:v11+s17+$0x0], $0xffff;
	v4 =	vadd.f32 v34, v4;
	v6 =	vadd.f32 v35, v2  }
0x88: {  	v11 =	vld [tilespmem:s25+$0x1CC00]  }
0x89: {  	v44 =	vld.idx.msk [tilespmem:v9+s17+$0x0], $0xffff;
	v8 =	vadd.f32 v32, v4;
	v6 =	vadd.f32 v33, v6  }
0x8a: {  	v9 =	vld [tilespmem:s25+$0x1D100]  }
0x8b: {  	v48 =	vld.idx.msk [tilespmem:v5+s17+$0x0], $0xffff;
	v8 =	vadd.f32 v30, v8;
	v10 =	vadd.f32 v31, v6  }
0x8c: {  	v5 =	vld [tilespmem:s25+$0x1D300]  }
0x8d: {  	v41 =	vld [tilespmem:s25+$0x1B100];
	v12 =	vadd.f32 v28, v8;
	v10 =	vadd.f32 v29, v10  }
0x8e: {  	v39 =	vld [tilespmem:s25+$0x1B200]  }
0x8f: {  	v0 =	vld [tilespmem:s25+$0x1D980];
	v12 =	vadd.f32 v26, v12;
	v14 =	vadd.f32 v27, v10  }
0x90: {  	v37 =	vld [tilespmem:s25+$0x1B300]  }
0x91: {  	v2 =	vld [tilespmem:s25+$0x1D480];
	v16 =	vadd.f32 v24, v12;
	v14 =	vadd.f32 v25, v14  }
0x92: {  	v35 =	vld [tilespmem:s25+$0x1B400]  }
0x93: {  	v4 =	vld [tilespmem:s25+$0x1D380];
	v16 =	vadd.f32 v22, v16;
	v19 =	vadd.f32 v23, v14  }
0x94: {  	v33 =	vld [tilespmem:s25+$0x1B900]  }
0x95: {  	v6 =	vld [tilespmem:s25+$0x1D280];
	v20 =	vadd.f32 v20, v16;
	v21 =	vadd.f32 v21, v19  }
0x96: {  	v31 =	vld [tilespmem:s25+$0x1BA00]  }
0x97: {  	v8 =	vld [tilespmem:s25+$0x1D180];
	v20 =	vadd.f32 v18, v20;
	v22 =	vadd.f32 v50, v21  }
0x98: {  	v29 =	vld [tilespmem:s25+$0x1BB00]  }
0x99: {  	v10 =	vld [tilespmem:s25+$0x1CC80];
	v24 =	vadd.f32 v51, v20;
	v22 =	vadd.f32 v52, v22  }
0x9a: {  	v27 =	vld [tilespmem:s25+$0x1BC00]  }
0x9b: {  	v12 =	vld [tilespmem:s25+$0x1CB80];
	v24 =	vadd.f32 v53, v24;
	v26 =	vadd.f32 v54, v22  }
0x9c: {  	v25 =	vld [tilespmem:s25+$0x1C100]  }
0x9d: {  	v14 =	vld [tilespmem:s25+$0x1CA80];
	v28 =	vadd.f32 v55, v24;
	v26 =	vadd.f32 v56, v26  }
0x9e: {  	v23 =	vld [tilespmem:s25+$0x1C200]  }
0x9f: {  	v16 =	vld [tilespmem:s25+$0x1C980];
	v28 =	vadd.f32 v57, v28;
	v30 =	vadd.f32 v42, v26  }
0xa0: {  	v19 =	vld [tilespmem:s25+$0x1C400]  }
0xa1: {  	v18 =	vld [tilespmem:s25+$0x1C480];
	v59 =	vadd.f32 v59, v28;
	v30 =	vadd.f32 v44, v30  }
0xa2: {  	v21 =	vld [tilespmem:s25+$0x1C300]  }
0xa3: {  	v20 =	vld [tilespmem:s25+$0x1C380];
	v32 =	vadd.f32 v45, v59;
	v60 =	vadd.f32 v60, v30  }
0xa4: {  	v22 =	vld [tilespmem:s25+$0x1C280]  }
0xa5: {  	v24 =	vld [tilespmem:s25+$0x1C180];
	v61 =	vadd.f32 v61, v32;
	v34 =	vadd.f32 v48, v60  }
0xa6: {  	v26 =	vld [tilespmem:s25+$0x1BC80]  }
0xa7: {  	v28 =	vld [tilespmem:s25+$0x1BB80];
	v36 =	vadd.f32 v49, v61;
	v62 =	vadd.f32 v62, v34  }
0xa8: {  	v30 =	vld [tilespmem:s25+$0x1BA80]  }
0xa9: {  	v32 =	vld [tilespmem:s25+$0x1B980];
	v63 =	vadd.f32 v63, v36;
	v38 =	vadd.f32 v58, v62  }
0xaa: {  	v34 =	vld [tilespmem:s25+$0x1B480]  }
0xab: {  	v36 =	vld [tilespmem:s25+$0x1B380];
	v40 =	vadd.f32 v38, v63  }
0xac: {  	v38 =	vld [tilespmem:s25+$0x1B280]  }
0xad: {  	s24 =	simm.s32 $0x20;
	s22 =	simm.s32 $0x1E100;
	[tilespmem:s20+$0x0] =	vst v40;
	v40 =	vld [tilespmem:s25+$0x1B180]  }
.LBB2_2:
0xae: {  	p0 =	sne.s32 s24, $0xF0;
	v42 =	vld [tilespmem:s25+$0x1A900]  }
0xaf: {  	v43 =	vld [tilespmem:s25+$0x1A980]  }
0xb0: {  	v44 =	vld [tilespmem:s25+$0x1AA00]  }
0xb1: {  	v45 =	vld [tilespmem:s25+$0x1AA80]  }
0xb2: {  	v46 =	vld [tilespmem:s25+$0x1AB00]  }
0xb3: {  	v47 =	vld [tilespmem:s25+$0x1AB80]  }
0xb4: {  	v48 =	vld [tilespmem:s25+$0x1AC00]  }
0xb5: {  	v49 =	vld [tilespmem:s25+$0x1AC80]  }
0xb6: {  	v42 =	vld.idx.msk [tilespmem:v42+s17+$0x0], $0xffff  }
0xb7: {  	v43 =	vld.idx.msk [tilespmem:v43+s17+$0x0], $0xffff  }
0xb8: {  	v44 =	vld.idx.msk [tilespmem:v44+s17+$0x0], $0xffff  }
0xb9: {  	v45 =	vld.idx.msk [tilespmem:v45+s17+$0x0], $0xffff  }
0xba: {  	v46 =	vld.idx.msk [tilespmem:v46+s17+$0x0], $0xffff  }
0xbb: {  	v47 =	vld.idx.msk [tilespmem:v47+s17+$0x0], $0xffff  }
0xbc: {  	v48 =	vld.idx.msk [tilespmem:v48+s17+$0x0], $0xffff  }
0xbd: {  	v42 =	vadd.f32 $0.0e+00, v42;
	v43 =	vadd.f32 $0.0e+00, v43;
	v49 =	vld.idx.msk [tilespmem:v49+s17+$0x0], $0xffff  }
0xbe: {  	v41 =	vld.idx.msk [tilespmem:v41+s17+$0x0], $0xffff  }
0xbf: {  	v42 =	vadd.f32 v44, v42;
	v43 =	vadd.f32 v45, v43;
	v40 =	vld.idx.msk [tilespmem:v40+s17+$0x0], $0xffff  }
0xc0: {  	v39 =	vld.idx.msk [tilespmem:v39+s17+$0x0], $0xffff  }
0xc1: {  	v42 =	vadd.f32 v46, v42;
	v43 =	vadd.f32 v47, v43;
	v38 =	vld.idx.msk [tilespmem:v38+s17+$0x0], $0xffff  }
0xc2: {  	v37 =	vld.idx.msk [tilespmem:v37+s17+$0x0], $0xffff  }
0xc3: {  	v42 =	vadd.f32 v48, v42;
	v43 =	vadd.f32 v49, v43;
	v36 =	vld.idx.msk [tilespmem:v36+s17+$0x0], $0xffff  }
0xc4: {  	v35 =	vld.idx.msk [tilespmem:v35+s17+$0x0], $0xffff  }
0xc5: {  	v41 =	vadd.f32 v41, v42;
	v40 =	vadd.f32 v40, v43;
	v34 =	vld.idx.msk [tilespmem:v34+s17+$0x0], $0xffff  }
0xc6: {  	v33 =	vld.idx.msk [tilespmem:v33+s17+$0x0], $0xffff  }
0xc7: {  	v39 =	vadd.f32 v39, v41;
	v38 =	vadd.f32 v38, v40;
	v32 =	vld.idx.msk [tilespmem:v32+s17+$0x0], $0xffff  }
0xc8: {  	v31 =	vld.idx.msk [tilespmem:v31+s17+$0x0], $0xffff  }
0xc9: {  	v37 =	vadd.f32 v37, v39;
	v36 =	vadd.f32 v36, v38;
	v30 =	vld.idx.msk [tilespmem:v30+s17+$0x0], $0xffff  }
0xca: {  	v29 =	vld.idx.msk [tilespmem:v29+s17+$0x0], $0xffff  }
0xcb: {  	v35 =	vadd.f32 v35, v37;
	v34 =	vadd.f32 v34, v36;
	v28 =	vld.idx.msk [tilespmem:v28+s17+$0x0], $0xffff  }
0xcc: {  	v27 =	vld.idx.msk [tilespmem:v27+s17+$0x0], $0xffff  }
0xcd: {  	v33 =	vadd.f32 v33, v35;
	v32 =	vadd.f32 v32, v34;
	v26 =	vld.idx.msk [tilespmem:v26+s17+$0x0], $0xffff  }
0xce: {  	v25 =	vld.idx.msk [tilespmem:v25+s17+$0x0], $0xffff  }
0xcf: {  	v31 =	vadd.f32 v31, v33;
	v30 =	vadd.f32 v30, v32;
	v24 =	vld.idx.msk [tilespmem:v24+s17+$0x0], $0xffff  }
0xd0: {  	v23 =	vld.idx.msk [tilespmem:v23+s17+$0x0], $0xffff  }
0xd1: {  	v29 =	vadd.f32 v29, v31;
	v28 =	vadd.f32 v28, v30;
	v22 =	vld.idx.msk [tilespmem:v22+s17+$0x0], $0xffff  }
0xd2: {  	v21 =	vld.idx.msk [tilespmem:v21+s17+$0x0], $0xffff  }
0xd3: {  	v27 =	vadd.f32 v27, v29;
	v26 =	vadd.f32 v26, v28;
	v20 =	vld.idx.msk [tilespmem:v20+s17+$0x0], $0xffff  }
0xd4: {  	v19 =	vld.idx.msk [tilespmem:v19+s17+$0x0], $0xffff  }
0xd5: {  	v25 =	vadd.f32 v25, v27;
	v24 =	vadd.f32 v24, v26;
	v18 =	vld.idx.msk [tilespmem:v18+s17+$0x0], $0xffff  }
0xd6: {  	v17 =	vld.idx.msk [tilespmem:v17+s17+$0x0], $0xffff  }
0xd7: {  	v23 =	vadd.f32 v23, v25;
	v22 =	vadd.f32 v22, v24;
	v16 =	vld.idx.msk [tilespmem:v16+s17+$0x0], $0xffff  }
0xd8: {  	v15 =	vld.idx.msk [tilespmem:v15+s17+$0x0], $0xffff  }
0xd9: {  	v21 =	vadd.f32 v21, v23;
	v20 =	vadd.f32 v20, v22;
	v14 =	vld.idx.msk [tilespmem:v14+s17+$0x0], $0xffff  }
0xda: {  	v13 =	vld.idx.msk [tilespmem:v13+s17+$0x0], $0xffff  }
0xdb: {  	v19 =	vadd.f32 v19, v21;
	v18 =	vadd.f32 v18, v20;
	v12 =	vld.idx.msk [tilespmem:v12+s17+$0x0], $0xffff  }
0xdc: {  	v11 =	vld.idx.msk [tilespmem:v11+s17+$0x0], $0xffff  }
0xdd: {  	v17 =	vadd.f32 v17, v19;
	v16 =	vadd.f32 v16, v18;
	v10 =	vld.idx.msk [tilespmem:v10+s17+$0x0], $0xffff  }
0xde: {  	v9 =	vld.idx.msk [tilespmem:v9+s17+$0x0], $0xffff  }
0xdf: {  	v15 =	vadd.f32 v15, v17;
	v14 =	vadd.f32 v14, v16;
	v8 =	vld.idx.msk [tilespmem:v8+s17+$0x0], $0xffff  }
0xe0: {  	v7 =	vld.idx.msk [tilespmem:v7+s17+$0x0], $0xffff  }
0xe1: {  	v13 =	vadd.f32 v13, v15;
	v12 =	vadd.f32 v12, v14;
	v6 =	vld.idx.msk [tilespmem:v6+s17+$0x0], $0xffff  }
0xe2: {  	v5 =	vld.idx.msk [tilespmem:v5+s17+$0x0], $0xffff  }
0xe3: {  	v11 =	vadd.f32 v11, v13;
	v10 =	vadd.f32 v10, v12;
	v4 =	vld.idx.msk [tilespmem:v4+s17+$0x0], $0xffff  }
0xe4: {  	v12 =	vld.idx.msk [tilespmem:v3+s17+$0x0], $0xffff  }
0xe5: {  	s23 =	sadd.s32 $0x80, s23;
	v3 =	vadd.f32 v9, v11;
	v8 =	vadd.f32 v8, v10;
	v9 =	vld.idx.msk [tilespmem:v2+s17+$0x0], $0xffff  }
0xe6: {  	s26 =	sand.u32 $0x400, s23;
	s25 =	sand.u32 $0x70, s24;
	v10 =	vld.idx.msk [tilespmem:v1+s17+$0x0], $0xffff  }
0xe7: {  	s25 =	sor.u32 s25, s26;
	v2 =	vadd.f32 v7, v3;
	v3 =	vadd.f32 v6, v8;
	v6 =	vld.idx.msk [tilespmem:v0+s17+$0x0], $0xffff  }
0xe8: {  	v1 =	vld [tilespmem:s25+$0x1D900]  }
0xe9: {  	v5 =	vadd.f32 v5, v2;
	v4 =	vadd.f32 v4, v3;
	v0 =	vld [tilespmem:s25+$0x1D980]  }
0xea: {  	v3 =	vld [tilespmem:s25+$0x1D400]  }
0xeb: {  	v7 =	vadd.f32 v12, v5;
	v8 =	vadd.f32 v9, v4;
	v2 =	vld [tilespmem:s25+$0x1D480]  }
0xec: {  	v5 =	vld [tilespmem:s25+$0x1D300]  }
0xed: {  	v9 =	vadd.f32 v10, v7;
	v8 =	vadd.f32 v6, v8;
	v4 =	vld [tilespmem:s25+$0x1D380]  }
0xee: {  	v7 =	vld [tilespmem:s25+$0x1D200]  }
0xef: {  	v10 =	vadd.f32 v8, v9;
	v6 =	vld [tilespmem:s25+$0x1D280]  }
0xf0: {  	s22 =	sadd.s32 $0x10, s22;
	v9 =	vld [tilespmem:s25+$0x1D100]  }
0xf1: {  	v8 =	vld [tilespmem:s25+$0x1D180];
	[tilespmem:s22+$0x0] =	vst v10  }
0xf2: {  	v11 =	vld [tilespmem:s25+$0x1CC00]  }
0xf3: {  	v10 =	vld [tilespmem:s25+$0x1CC80]  }
0xf4: {  	v13 =	vld [tilespmem:s25+$0x1CB00]  }
0xf5: {  	v12 =	vld [tilespmem:s25+$0x1CB80]  }
0xf6: {  	v15 =	vld [tilespmem:s25+$0x1CA00]  }
0xf7: {  	v14 =	vld [tilespmem:s25+$0x1CA80]  }
0xf8: {  	v17 =	vld [tilespmem:s25+$0x1C900]  }
0xf9: {  	v16 =	vld [tilespmem:s25+$0x1C980]  }
0xfa: {  	v19 =	vld [tilespmem:s25+$0x1C400]  }
0xfb: {  	v18 =	vld [tilespmem:s25+$0x1C480]  }
0xfc: {  	v21 =	vld [tilespmem:s25+$0x1C300]  }
0xfd: {  	v20 =	vld [tilespmem:s25+$0x1C380]  }
0xfe: {  	v23 =	vld [tilespmem:s25+$0x1C200]  }
0xff: {  	v22 =	vld [tilespmem:s25+$0x1C280]  }
0x100: {  	v25 =	vld [tilespmem:s25+$0x1C100]  }
0x101: {  	v24 =	vld [tilespmem:s25+$0x1C180]  }
0x102: {  	v27 =	vld [tilespmem:s25+$0x1BC00]  }
0x103: {  	v26 =	vld [tilespmem:s25+$0x1BC80]  }
0x104: {  	v29 =	vld [tilespmem:s25+$0x1BB00]  }
0x105: {  	v28 =	vld [tilespmem:s25+$0x1BB80]  }
0x106: {  	v31 =	vld [tilespmem:s25+$0x1BA00]  }
0x107: {  	v30 =	vld [tilespmem:s25+$0x1BA80]  }
0x108: {  	v33 =	vld [tilespmem:s25+$0x1B900]  }
0x109: {  	v32 =	vld [tilespmem:s25+$0x1B980]  }
0x10a: {  	v35 =	vld [tilespmem:s25+$0x1B400]  }
0x10b: {  	v34 =	vld [tilespmem:s25+$0x1B480]  }
0x10c: {  	v37 =	vld [tilespmem:s25+$0x1B300]  }
.Ltmp0:
0x10d: {  	v36 =	vld [tilespmem:s25+$0x1B380];
	(pc) =	sbr.rel @p0 .LBB2_2-.Ltmp0, $4  }
0x10e: {  	v39 =	vld [tilespmem:s25+$0x1B200]  }
0x10f: {  	v38 =	vld [tilespmem:s25+$0x1B280]  }
0x110: {  	v41 =	vld [tilespmem:s25+$0x1B100]  }
0x111: {  	s24 =	sadd.s32 $0x10, s24;
	v40 =	vld [tilespmem:s25+$0x1B180]  }
0x112: {  	v42 =	vld [tilespmem:s25+$0x1A900]  }
0x113: {  	v43 =	vld [tilespmem:s25+$0x1A980]  }
0x114: {  	v44 =	vld [tilespmem:s25+$0x1AA00]  }
0x115: {  	v45 =	vld [tilespmem:s25+$0x1AA80]  }
0x116: {  	v46 =	vld [tilespmem:s25+$0x1AB00]  }
0x117: {  	v47 =	vld [tilespmem:s25+$0x1AB80]  }
0x118: {  	v48 =	vld [tilespmem:s25+$0x1AC00]  }
0x119: {  	v49 =	vld [tilespmem:s25+$0x1AC80]  }
0x11a: {  	v42 =	vld.idx.msk [tilespmem:v42+s17+$0x0], $0xffff  }
0x11b: {  	v43 =	vld.idx.msk [tilespmem:v43+s17+$0x0], $0xffff  }
0x11c: {  	v44 =	vld.idx.msk [tilespmem:v44+s17+$0x0], $0xffff  }
0x11d: {  	v45 =	vld.idx.msk [tilespmem:v45+s17+$0x0], $0xffff  }
0x11e: {  	v46 =	vld.idx.msk [tilespmem:v46+s17+$0x0], $0xffff  }
0x11f: {  	v47 =	vld.idx.msk [tilespmem:v47+s17+$0x0], $0xffff  }
0x120: {  	v48 =	vld.idx.msk [tilespmem:v48+s17+$0x0], $0xffff;
	v42 =	vadd.f32 $0.0e+00, v42;
	v43 =	vadd.f32 $0.0e+00, v43  }
0x121: {  	v49 =	vld.idx.msk [tilespmem:v49+s17+$0x0], $0xffff  }
0x122: {  	v41 =	vld.idx.msk [tilespmem:v41+s17+$0x0], $0xffff;
	v42 =	vadd.f32 v44, v42;
	v43 =	vadd.f32 v45, v43  }
0x123: {  	v40 =	vld.idx.msk [tilespmem:v40+s17+$0x0], $0xffff  }
0x124: {  	v39 =	vld.idx.msk [tilespmem:v39+s17+$0x0], $0xffff;
	v42 =	vadd.f32 v46, v42;
	v43 =	vadd.f32 v47, v43  }
0x125: {  	v38 =	vld.idx.msk [tilespmem:v38+s17+$0x0], $0xffff  }
0x126: {  	v37 =	vld.idx.msk [tilespmem:v37+s17+$0x0], $0xffff;
	v42 =	vadd.f32 v48, v42;
	v43 =	vadd.f32 v49, v43  }
0x127: {  	v36 =	vld.idx.msk [tilespmem:v36+s17+$0x0], $0xffff  }
0x128: {  	v35 =	vld.idx.msk [tilespmem:v35+s17+$0x0], $0xffff;
	v41 =	vadd.f32 v41, v42;
	v40 =	vadd.f32 v40, v43  }
0x129: {  	v34 =	vld.idx.msk [tilespmem:v34+s17+$0x0], $0xffff  }
0x12a: {  	v33 =	vld.idx.msk [tilespmem:v33+s17+$0x0], $0xffff;
	v39 =	vadd.f32 v39, v41;
	v38 =	vadd.f32 v38, v40  }
0x12b: {  	v32 =	vld.idx.msk [tilespmem:v32+s17+$0x0], $0xffff  }
0x12c: {  	v31 =	vld.idx.msk [tilespmem:v31+s17+$0x0], $0xffff;
	v37 =	vadd.f32 v37, v39;
	v36 =	vadd.f32 v36, v38  }
0x12d: {  	v30 =	vld.idx.msk [tilespmem:v30+s17+$0x0], $0xffff  }
0x12e: {  	v29 =	vld.idx.msk [tilespmem:v29+s17+$0x0], $0xffff;
	v35 =	vadd.f32 v35, v37;
	v34 =	vadd.f32 v34, v36  }
0x12f: {  	v28 =	vld.idx.msk [tilespmem:v28+s17+$0x0], $0xffff  }
0x130: {  	v27 =	vld.idx.msk [tilespmem:v27+s17+$0x0], $0xffff;
	v33 =	vadd.f32 v33, v35;
	v32 =	vadd.f32 v32, v34  }
0x131: {  	v26 =	vld.idx.msk [tilespmem:v26+s17+$0x0], $0xffff  }
0x132: {  	v25 =	vld.idx.msk [tilespmem:v25+s17+$0x0], $0xffff;
	v31 =	vadd.f32 v31, v33;
	v30 =	vadd.f32 v30, v32  }
0x133: {  	v24 =	vld.idx.msk [tilespmem:v24+s17+$0x0], $0xffff  }
0x134: {  	v23 =	vld.idx.msk [tilespmem:v23+s17+$0x0], $0xffff;
	v29 =	vadd.f32 v29, v31;
	v28 =	vadd.f32 v28, v30  }
0x135: {  	v22 =	vld.idx.msk [tilespmem:v22+s17+$0x0], $0xffff  }
0x136: {  	v21 =	vld.idx.msk [tilespmem:v21+s17+$0x0], $0xffff;
	v27 =	vadd.f32 v27, v29;
	v26 =	vadd.f32 v26, v28  }
0x137: {  	v20 =	vld.idx.msk [tilespmem:v20+s17+$0x0], $0xffff  }
0x138: {  	v19 =	vld.idx.msk [tilespmem:v19+s17+$0x0], $0xffff;
	v25 =	vadd.f32 v25, v27;
	v24 =	vadd.f32 v24, v26  }
0x139: {  	v18 =	vld.idx.msk [tilespmem:v18+s17+$0x0], $0xffff  }
0x13a: {  	v17 =	vld.idx.msk [tilespmem:v17+s17+$0x0], $0xffff;
	v23 =	vadd.f32 v23, v25;
	v22 =	vadd.f32 v22, v24  }
0x13b: {  	v16 =	vld.idx.msk [tilespmem:v16+s17+$0x0], $0xffff  }
0x13c: {  	v15 =	vld.idx.msk [tilespmem:v15+s17+$0x0], $0xffff;
	v21 =	vadd.f32 v21, v23;
	v20 =	vadd.f32 v20, v22  }
0x13d: {  	v14 =	vld.idx.msk [tilespmem:v14+s17+$0x0], $0xffff  }
0x13e: {  	v13 =	vld.idx.msk [tilespmem:v13+s17+$0x0], $0xffff;
	v19 =	vadd.f32 v19, v21;
	v18 =	vadd.f32 v18, v20  }
0x13f: {  	v12 =	vld.idx.msk [tilespmem:v12+s17+$0x0], $0xffff  }
0x140: {  	v11 =	vld.idx.msk [tilespmem:v11+s17+$0x0], $0xffff;
	v17 =	vadd.f32 v17, v19;
	v16 =	vadd.f32 v16, v18  }
0x141: {  	v10 =	vld.idx.msk [tilespmem:v10+s17+$0x0], $0xffff  }
0x142: {  	v9 =	vld.idx.msk [tilespmem:v9+s17+$0x0], $0xffff;
	v15 =	vadd.f32 v15, v17;
	v14 =	vadd.f32 v14, v16  }
0x143: {  	v8 =	vld.idx.msk [tilespmem:v8+s17+$0x0], $0xffff  }
0x144: {  	v7 =	vld.idx.msk [tilespmem:v7+s17+$0x0], $0xffff;
	v13 =	vadd.f32 v13, v15;
	v12 =	vadd.f32 v12, v14  }
0x145: {  	v6 =	vld.idx.msk [tilespmem:v6+s17+$0x0], $0xffff  }
0x146: {  	v5 =	vld.idx.msk [tilespmem:v5+s17+$0x0], $0xffff;
	v11 =	vadd.f32 v11, v13;
	v10 =	vadd.f32 v10, v12  }
0x147: {  	v4 =	vld.idx.msk [tilespmem:v4+s17+$0x0], $0xffff  }
0x148: {  	v3 =	vld.idx.msk [tilespmem:v3+s17+$0x0], $0xffff;
	v9 =	vadd.f32 v9, v11;
	v8 =	vadd.f32 v8, v10  }
0x149: {  	v2 =	vld.idx.msk [tilespmem:v2+s17+$0x0], $0xffff  }
0x14a: {  	v1 =	vld.idx.msk [tilespmem:v1+s17+$0x0], $0xffff;
	v7 =	vadd.f32 v7, v9;
	v6 =	vadd.f32 v6, v8  }
0x14b: {  	v0 =	vld.idx.msk [tilespmem:v0+s17+$0x0], $0xffff  }
0x14c: {  	v5 =	vadd.f32 v5, v7;
	v4 =	vadd.f32 v4, v6;
	_ =	sdelay $0x1  }
0x14d: {  	v3 =	vadd.f32 v3, v5;
	v2 =	vadd.f32 v2, v4;
	_ =	sdelay $0x1  }
0x14e: {  	v1 =	vadd.f32 v1, v3;
	v0 =	vadd.f32 v0, v2;
	_ =	sdelay $0x1  }
0x14f: {  	s21 =	sadd.s32 $0x1, s21;
	v0 =	vadd.f32 v0, v1  }
0x150: {  	s22 =	sadd.s32 $0x10, s22;
	p0 =	sne.s32 s21, s8  }
.Ltmp1:
0x151: {  	[tilespmem:s22+$0x0] =	vst v0;
	(pc) =	sbr.rel @p0 .LBB2_1-.Ltmp1, $4  }
0x152: {  	[hbm4b:s7+s18] =	stream.strided.scatter [tilespmem:s20], [sflag:$0x2], $0x100, s19, s18, $0x38;
	[tilespmem:$0x1E200] =	vst v63  }
0x153: {  	_ =	swait.ge [sflag:s16], $0x100  }
0x154: {  	[sflag:s16] =	ssyncset.done $0x0  }
0x155: {  	[sflag:s16] =	ssyncadd.s32 $0xFFFFFF00  }
0x156: {  	_ =	sfence.sel $0x180000  }
0x157: {  	[bflag:$0x0] =	sbarrier.arrive $0xFFFF  }
0x158: {  	p0 =	sne.s32 s1, $0x0;
	_ =	strace $0x90000047  }
0x159: {  	s0 =	sadd.s32 @!p0 $0x100000, s0;
	[bflag:$0x2] =	sbarrier.arrive $0xFFFF  }
0x15a: {  	[sflag:s0] =	ssyncadd.tile.s32 @!p0 $0x1;
	_ =	shalt  }
.Lfunc_end2:
_tile_overlayer_lowered:
.L_overlay_start_2:
0x15b: {  	(tag) =	ssettag $0x2  }
0x15c: {  	s0 =	rddreg [dreg:$0x0];
	s2 =	stileid.u32  }
0x15d: {  	s1 =	rddreg [dreg:$0x1];
	p0 =	sne.s32 s2, $0x0  }
0x15e: {  	s3 =	rddreg [dreg:$0x2];
	[bflag:$0x3] =	sbarrier.arrive $0xFFFF;
	s2 =	simm.s32 @!p0 $0x1C02  }
0x15f: {  	[timem:s3], [sflag:s2] =	dma.local @!p0 [hbm:s0], s1  }
0x160: {  	s0 =	simm.s32 @!p0 $0x2  }
0x161: {  	_ =	swait.ge @!p0 [sflag:s0], s1  }
0x162: {  	s1 =	ssub.s32 @!p0 $0x0, s1;
	[sflag:s0] =	ssyncset.done @!p0 $0x0  }
0x163: {  	[sflag:s0] =	ssyncadd.s32 @!p0 s1  }
0x164: {  	[bflag:$0x3] =	sbarrier.arrive $0xFFFF  }
0x165: {  	_ =	shalt  }

</sc_bundles>
